<compile_context>
chip_gen: v7x
topology: tpu7x:2x2x1
jax: 0.10.2.dev20260603
libtpu: 0.0.44.dev20260713+nightly
codegen_flags: <defaults>
</compile_context>

<pallas_src>
import jax
import jax.numpy as jnp
from jax import lax
from jax.experimental import pallas as pl
from jax.experimental.pallas import tpu as pltpu
from jax.experimental.pallas import tpu_sc as plsc

E = 16
D = 1024
H = 128
K = 8
CH = 32
N = 2048
_P = 2

_PREC = lax.Precision.DEFAULT

_NC = 2
_NS = 16
_NW = _NC * _NS
_RPW = N // _NW


def _gate_body(x_ref, wg1_ref, bg1_ref, wg2_ref, bg2_ref, w_ref, sp_ref):
    x = x_ref[...]
    h = jnp.maximum(jnp.dot(x, wg1_ref[...], precision=_PREC) + bg1_ref[...], 0.0)
    logits = jnp.dot(h, wg2_ref[...], precision=_PREC) + bg2_ref[...]
    m = jnp.max(logits, axis=1, keepdims=True)
    ex = jnp.exp(logits - m)
    w = ex / jnp.sum(ex, axis=1, keepdims=True)
    w_ref[...] = w
    sp_ref[...] = jnp.sum((w > 0.01).astype(jnp.float32)).reshape(1, 1) / (N * E)


_gating = pl.pallas_call(
    _gate_body,
    out_shape=[
        jax.ShapeDtypeStruct((N, E), jnp.float32),
        jax.ShapeDtypeStruct((1, 1), jnp.float32),
    ],
)


def _route_body(w_hbm, ti_hbm, wm_hbm, w_v, ti_v, wm_v):
    wid = lax.axis_index("s") * _NC + lax.axis_index("c")
    base = wid * _RPW
    pltpu.sync_copy(w_hbm.at[pl.ds(base, _RPW)], w_v)
    lanes = lax.broadcasted_iota(jnp.int32, (E,), 0)
    topmask = lanes < K
    for i in range(_RPW):
        w = w_v[i, :]
        sk, si = plsc.sort_key_val(w, lanes, descending=True)
        ti_v[i, :] = si
        mv = jnp.where(topmask, sk, 0.0)
        row = jnp.full((E,), i, dtype=jnp.int32)
        plsc.store_scatter(wm_v, [row, si], mv)
    pltpu.sync_copy(ti_v, ti_hbm.at[pl.ds(base, _RPW)])
    pltpu.sync_copy(wm_v, wm_hbm.at[pl.ds(base, _RPW)])


_route_cached = None


def _route(weights):
    global _route_cached
    if _route_cached is None:
        _route_cached = pl.kernel(
            _route_body,
            out_type=(
                jax.ShapeDtypeStruct((N, E), jnp.int32),
                jax.ShapeDtypeStruct((N, E), jnp.float32),
            ),
            mesh=plsc.VectorSubcoreMesh(core_axis_name="c", subcore_axis_name="s"),
            scratch_types=[
                pltpu.VMEM((_RPW, E), jnp.float32),
                pltpu.VMEM((_RPW, E), jnp.int32),
                pltpu.VMEM((_RPW, E), jnp.float32),
            ],
            compiler_params=pltpu.CompilerParams(needs_layout_passes=False),
        )
    return _route_cached(weights)


def _expert_body(x_ref, wm_ref, ti_ref, w1_ref, b1_ref, w2_ref, b2_ref,
                 w3_ref, b3_ref, wc1_ref, bc1_ref, wc2_ref,
                 out_ref, csel_ref, h2all, conf_acc):
    i = pl.program_id(0)
    w1cat = jnp.concatenate([w1_ref[j] for j in range(_P)], axis=1)
    b1cat = jnp.concatenate([b1_ref[j] for j in range(_P)], axis=1)
    h1 = jnp.maximum(jnp.dot(x_ref[...], w1cat, precision=_PREC) + b1cat, 0.0)
    wc1_both = wc1_ref[...]
    iota_row_f = lax.broadcasted_iota(jnp.int32, (1, E), 1)
    conf_upd = None
    for j in range(_P):
        e = _P * i + j
        h2 = jnp.maximum(jnp.dot(h1[:, j * H:(j + 1) * H], w2_ref[j],
                                 precision=_PREC) + b2_ref[j], 0.0)
        wc1 = wc1_both[j]
        v = jnp.dot(w3_ref[e], wc1, precision=_PREC)
        u = jnp.dot(b3_ref[e], wc1, precision=_PREC)
        c1 = jnp.maximum(jnp.dot(h2, v, precision=_PREC) + u + bc1_ref[j], 0.0)
        c1a = jnp.concatenate([c1, jnp.ones((N, 1), jnp.float32)], axis=1)
        logit = lax.dot_general(c1a, wc2_ref[j], (((1,), (1,)), ((), ())),
                                precision=_PREC)
        conf = jax.nn.sigmoid(logit)
        onehot = (iota_row_f == e).astype(jnp.float32)
        wcol = lax.dot_general(wm_ref[...], onehot, (((1,), (1,)), ((), ())),
                               precision=_PREC)
        g = wcol * conf
        contrib = conf * onehot
        conf_upd = contrib if conf_upd is None else conf_upd + contrib
        h2all[:, pl.ds(e * H, H)] = (g * h2).astype(jnp.bfloat16)

    @pl.when(i == 0)
    def _():
        conf_acc[...] = conf_upd

    @pl.when(i > 0)
    def _():
        conf_acc[...] = conf_acc[...] + conf_upd

    @pl.when(i == E // _P - 1)
    def _():
        ca = conf_acc[...]
        gm = wm_ref[...] * ca
        s = jnp.sum(gm, axis=1, keepdims=True)
        w3r = w3_ref[...].reshape(E * H, D)
        acc = jnp.dot(h2all[...], w3r, precision=_PREC,
                      preferred_element_type=jnp.float32)
        acc = acc + jnp.dot(gm, b3_ref[...].reshape(E, D), precision=_PREC)
        out_ref[...] = acc / (s + 1e-8)
        iota_row = lax.broadcasted_iota(jnp.int32, (1, E), 1)
        ti = ti_ref[...]
        cols = []
        for k in range(K):
            eqk = ti[:, k:k + 1] == iota_row
            cols.append(jnp.sum(jnp.where(eqk, ca, 0.0), axis=1, keepdims=True))
        csel_ref[...] = jnp.concatenate(cols, axis=1)


_experts = pl.pallas_call(
    _expert_body,
    grid=(E // _P,),
    in_specs=[
        pl.BlockSpec((N, D), lambda i: (0, 0)),
        pl.BlockSpec((N, E), lambda i: (0, 0)),
        pl.BlockSpec((N, K), lambda i: (0, 0)),
        pl.BlockSpec((_P, D, H), lambda i: (i, 0, 0)),
        pl.BlockSpec((_P, 1, H), lambda i: (i, 0, 0)),
        pl.BlockSpec((_P, H, H), lambda i: (i, 0, 0)),
        pl.BlockSpec((_P, 1, H), lambda i: (i, 0, 0)),
        pl.BlockSpec((E, H, D), lambda i: (0, 0, 0)),
        pl.BlockSpec((E, 1, D), lambda i: (0, 0, 0)),
        pl.BlockSpec((_P, D, CH), lambda i: (i, 0, 0)),
        pl.BlockSpec((_P, 1, CH), lambda i: (i, 0, 0)),
        pl.BlockSpec((_P, 1, CH + 1), lambda i: (i, 0, 0)),
    ],
    out_specs=[
        pl.BlockSpec((N, D), lambda i: (0, 0)),
        pl.BlockSpec((N, K), lambda i: (0, 0)),
    ],
    out_shape=[
        jax.ShapeDtypeStruct((N, D), jnp.float32),
        jax.ShapeDtypeStruct((N, K), jnp.float32),
    ],
    scratch_shapes=[
        pltpu.VMEM((N, E * H), jnp.bfloat16),
        pltpu.VMEM((N, E), jnp.float32),
    ],
    compiler_params=pltpu.CompilerParams(
        dimension_semantics=("arbitrary",),
        vmem_limit_bytes=100 * 1024 * 1024,
    ),
)


def kernel(x, W1, b1, W2, b2, W3, b3, Wg1, bg1, Wg2, bg2, Wc1, bc1, Wc2, bc2):
    weights, sp = _gating(x, Wg1, bg1.reshape(1, H), Wg2, bg2.reshape(1, E))

    ti, wm = _route(weights)
    wc2b = jnp.concatenate([Wc2[:, :, 0], bc2], axis=1).reshape(E, 1, CH + 1)
    out, csel = _experts(x, wm, ti[:, :K], W1, b1.reshape(E, 1, H), W2,
                         b2.reshape(E, 1, H), W3, b3.reshape(E, 1, D),
                         Wc1, bc1.reshape(E, 1, CH), wc2b)
    return out, weights, csel, sp.reshape(())

# --- scband reference (transcript-rebuilt; emitter-appended) ---
"""Pipeline reference for scband-large-scale-source-integration-4440996184190 (READ-ONLY COPY).

The authoritative reference and input builder live on the scoring server;
editing this copy changes nothing except your own understanding.
"""

import jax, jax.numpy as jnp
import numpy as np

E = 16   # n_sources
D = 1024 # input_dim
H = 128  # hidden_dim
K = 8    # sparse_topk
CH = 32  # confidence hidden
N = 2048 # tokens


def _xavier(k, shape):
    fan_in, fan_out = shape[-2], shape[-1]
    limit = np.sqrt(6.0 / (fan_in + fan_out))
    return jax.random.uniform(k, shape, minval=-limit, maxval=limit, dtype=jnp.float32)


def setup_inputs(seed: int = 0) -> dict:
    key = jax.random.key(seed)
    ks = jax.random.split(key, 16)
    x = jax.random.normal(ks[0], (N, D), dtype=jnp.float32)
    W1 = _xavier(ks[1], (E, D, H)); b1 = jnp.zeros((E, H), jnp.float32)
    W2 = _xavier(ks[2], (E, H, H)); b2 = jnp.zeros((E, H), jnp.float32)
    W3 = _xavier(ks[3], (E, H, D)); b3 = jnp.zeros((E, D), jnp.float32)
    Wg1 = _xavier(ks[4], (D, H)); bg1 = jnp.zeros((H,), jnp.float32)
    Wg2 = _xavier(ks[5], (H, E)); bg2 = jnp.zeros((E,), jnp.float32)
    Wc1 = _xavier(ks[6], (E, D, CH)); bc1 = jnp.zeros((E, CH), jnp.float32)
    Wc2 = _xavier(ks[7], (E, CH, 1)); bc2 = jnp.zeros((E, 1), jnp.float32)
    return {"x": x, "W1": W1, "b1": b1, "W2": W2, "b2": b2, "W3": W3, "b3": b3,
            "Wg1": Wg1, "bg1": bg1, "Wg2": Wg2, "bg2": bg2,
            "Wc1": Wc1, "bc1": bc1, "Wc2": Wc2, "bc2": bc2}


def reference(x, W1, b1, W2, b2, W3, b3, Wg1, bg1, Wg2, bg2, Wc1, bc1, Wc2, bc2):
    # gating network (Dropout is identity in eval mode)
    logits = jnp.maximum(x @ Wg1 + bg1, 0.0) @ Wg2 + bg2
    weights = jax.nn.softmax(logits, axis=-1)                      # [N, E]
    topk_values, topk_indices = jax.lax.top_k(weights, K)          # [N, K]
    # per-expert 3-layer MLP (compute all experts, then gather selected --
    # mathematically identical to applying only the selected experts)
    h1 = jnp.maximum(jnp.einsum('nd,edh->neh', x, W1) + b1[None], 0.0)
    h2 = jnp.maximum(jnp.einsum('neh,ehk->nek', h1, W2) + b2[None], 0.0)
    out_all = jnp.einsum('neh,ehd->ned', h2, W3) + b3[None]        # [N, E, D]
    # per-expert confidence net applied to expert output
    c1 = jnp.maximum(jnp.einsum('ned,edc->nec', out_all, Wc1) + bc1[None], 0.0)
    conf_all = jax.nn.sigmoid(jnp.einsum('nec,eco->neo', c1, Wc2) + bc2[None])  # [N, E, 1]
    # gather the top-k selected experts per token
    out_sel = jnp.take_along_axis(out_all, topk_indices[:, :, None], axis=1)    # [N, K, D]
    conf_sel = jnp.take_along_axis(conf_all, topk_indices[:, :, None], axis=1)  # [N, K, 1]
    w_sel = topk_values[:, :, None]                                             # [N, K, 1]
    combined = w_sel * conf_sel
    combined = combined / (combined.sum(axis=1, keepdims=True) + 1e-08)
    output = (out_sel * combined).sum(axis=1)                                   # [N, D]
    sparsity = (weights > 0.01).astype(jnp.float32).mean()
    return output, weights, conf_sel[..., 0], sparsity

if __name__ == "__main__":
    import jax
    _d = setup_inputs()
    print(jax.jit(kernel)(*tuple(_d.values())))

</pallas_src>

<mosaic_0001>
#map = affine_map<(d0, d1) -> (0, 0)>
module attributes {stable_mosaic.version = 14 : i64} {
  func.func @_route_body(%arg0: i32, %arg1: i32, %arg2: memref<2048x16xf32, #tpu.memory_space<hbm>>, %arg3: memref<2048x16xi32, #tpu.memory_space<hbm>>, %arg4: memref<2048x16xf32, #tpu.memory_space<hbm>>, %arg5: memref<64x16xf32, #tpu.memory_space<vmem>>, %arg6: memref<64x16xi32, #tpu.memory_space<vmem>>, %arg7: memref<64x16xf32, #tpu.memory_space<vmem>>) attributes {dimension_semantics = [#tpu.dimension_semantics<core_parallel>, #tpu.dimension_semantics<subcore_parallel>], iteration_bounds = array<i64: 2, 16>, scalar_prefetch = 0 : i64, scratch_operands = 3 : i64, tpu.core_type = #tpu.core_type<sc_vector_subcore>, window_params = [{transform_indices = #map}, {transform_indices = #map}, {transform_indices = #map}]} {
    %mul3A = arith.constant 2 : i32
    %mul3A_0 = arith.muli %arg1, %mul3A : i32
    %add3A = arith.addi %mul3A_0, %arg0 : i32
    %mul3A_1 = arith.constant 64 : i32
    %mul3A_2 = arith.muli %add3A, %mul3A_1 : i32
    "tpu.region"() ({
      %run_scoped3A = tpu.sem_alloc : memref<!tpu.dma_semaphore, #tpu.memory_space<semaphore_mem>>
      %dma_start3A = arith.constant 0 : i32
      %dma_start3A_1087 = tpu.memref_slice %arg2[%mul3A_2, %dma_start3A] : memref<2048x16xf32, #tpu.memory_space<hbm>> -> memref<64x16xf32, #tpu.memory_space<hbm>>
      %dma_start3A_1088 = arith.constant 0 : i32
      %dma_start3A_1089 = tpu.memref_slice %arg2[%mul3A_2, %dma_start3A_1088] : memref<2048x16xf32, #tpu.memory_space<hbm>> -> memref<64x16xf32, #tpu.memory_space<hbm>>
      tpu.enqueue_dma source(%dma_start3A_1089 : memref<64x16xf32, #tpu.memory_space<hbm>>) target(%arg5 : memref<64x16xf32, #tpu.memory_space<vmem>>) target_semaphore(%run_scoped3A : memref<!tpu.dma_semaphore, #tpu.memory_space<semaphore_mem>>)
      %dma_wait3A = arith.constant 0 : i32
      %dma_wait3A_1090 = tpu.memref_slice %arg2[%mul3A_2, %dma_wait3A] : memref<2048x16xf32, #tpu.memory_space<hbm>> -> memref<64x16xf32, #tpu.memory_space<hbm>>
      %dma_wait3A_1091 = arith.constant 0 : i32
      %dma_wait3A_1092 = tpu.memref_slice %arg2[%mul3A_2, %dma_wait3A_1091] : memref<2048x16xf32, #tpu.memory_space<hbm>> -> memref<64x16xf32, #tpu.memory_space<hbm>>
      tpu.wait_dma2 semaphore(%run_scoped3A : memref<!tpu.dma_semaphore, #tpu.memory_space<semaphore_mem>>) src(%dma_wait3A_1092 : memref<64x16xf32, #tpu.memory_space<hbm>>) dst(%arg5 : memref<64x16xf32, #tpu.memory_space<vmem>>)
      tpu.yield
    }) : () -> ()
    %iota3A = tpu.iota {dimensions = array<i32: 0>} : vector<16xi32>
    %lt3A = arith.constant 8 : i32
    %lt3A_3 = vector.broadcast %lt3A : i32 to vector<16xi32>
    %lt3A_4 = arith.cmpi slt, %iota3A, %lt3A_3 : vector<16xi32>
    %get3A = arith.constant 0 : i32
    %get3A_5 = arith.index_cast %get3A : i32 to index
    %get3A_6 = arith.constant 0 : index
    %get3A_7 = tpu.vector_load %arg5[%get3A_5, %get3A_6] {strides = array<i32>} : memref<64x16xf32, #tpu.memory_space<vmem>>, vector<16xf32>,
    %masked_sort3A = arith.constant dense<true> : vector<16xi1>
    %masked_sort3A_8, %masked_sort3A_9, %masked_sort3A_10 = tpu.sort %get3A_7, %iota3A masked %masked_sort3A {descending = true} : (vector<16xf32>, vector<16xi32>, vector<16xi1>) -> (vector<16xi1>, vector<16xf32>, vector<16xi32>)
    %swap3A = arith.constant 0 : i32
    %swap3A_11 = arith.index_cast %swap3A : i32 to index
    %swap3A_12 = arith.constant 0 : index
    %swap3A_13 = tpu.vector_load %arg6[%swap3A_11, %swap3A_12] {strides = array<i32>} : memref<64x16xi32, #tpu.memory_space<vmem>>, vector<16xi32>,
    tpu.vector_store %arg6[%swap3A_11, %swap3A_12], %masked_sort3A_10 {strides = array<i32>} : memref<64x16xi32, #tpu.memory_space<vmem>>, vector<16xi32>,
    %jit3A = arith.constant 0.000000e+00 : f32
    %broadcast_in_dim3A = vector.broadcast %jit3A : f32 to vector<16xf32>
    %select_n3A = arith.select %lt3A_4, %masked_sort3A_9, %broadcast_in_dim3A : vector<16xi1>, vector<16xf32>
    %broadcast_in_dim3A_14 = arith.constant 0 : i32
    %broadcast_in_dim3A_15 = vector.broadcast %broadcast_in_dim3A_14 : i32 to vector<16xi32>
    tpu.vector_store_idx %arg7[%broadcast_in_dim3A_15, %masked_sort3A_10], %select_n3A : memref<64x16xf32, #tpu.memory_space<vmem>>[vector<16xi32>, vector<16xi32>], vector<16xf32>,
    %get3A_16 = arith.constant 1 : i32
    %get3A_17 = arith.index_cast %get3A_16 : i32 to index
    %get3A_18 = arith.constant 0 : index
    %get3A_19 = tpu.vector_load %arg5[%get3A_17, %get3A_18] {strides = array<i32>} : memref<64x16xf32, #tpu.memory_space<vmem>>, vector<16xf32>,
    %masked_sort3A_20 = arith.constant dense<true> : vector<16xi1>
    %masked_sort3A_21, %masked_sort3A_22, %masked_sort3A_23 = tpu.sort %get3A_19, %iota3A masked %masked_sort3A_20 {descending = true} : (vector<16xf32>, vector<16xi32>, vector<16xi1>) -> (vector<16xi1>, vector<16xf32>, vector<16xi32>)
    %swap3A_24 = arith.constant 1 : i32
    %swap3A_25 = arith.index_cast %swap3A_24 : i32 to index
    %swap3A_26 = arith.constant 0 : index
    %swap3A_27 = tpu.vector_load %arg6[%swap3A_25, %swap3A_26] {strides = array<i32>} : memref<64x16xi32, #tpu.memory_space<vmem>>, vector<16xi32>,
    tpu.vector_store %arg6[%swap3A_25, %swap3A_26], %masked_sort3A_23 {strides = array<i32>} : memref<64x16xi32, #tpu.memory_space<vmem>>, vector<16xi32>,
    %jit3A_28 = arith.constant 0.000000e+00 : f32
    %broadcast_in_dim3A_29 = vector.broadcast %jit3A_28 : f32 to vector<16xf32>
    %select_n3A_30 = arith.select %lt3A_4, %masked_sort3A_22, %broadcast_in_dim3A_29 : vector<16xi1>, vector<16xf32>
    %broadcast_in_dim3A_31 = arith.constant 1 : i32
    %broadcast_in_dim3A_32 = vector.broadcast %broadcast_in_dim3A_31 : i32 to vector<16xi32>
    tpu.vector_store_idx %arg7[%broadcast_in_dim3A_32, %masked_sort3A_23], %select_n3A_30 : memref<64x16xf32, #tpu.memory_space<vmem>>[vector<16xi32>, vector<16xi32>], vector<16xf32>,
    %get3A_33 = arith.constant 2 : i32
    %get3A_34 = arith.index_cast %get3A_33 : i32 to index
    %get3A_35 = arith.constant 0 : index
    %get3A_36 = tpu.vector_load %arg5[%get3A_34, %get3A_35] {strides = array<i32>} : memref<64x16xf32, #tpu.memory_space<vmem>>, vector<16xf32>,
    %masked_sort3A_37 = arith.constant dense<true> : vector<16xi1>
    %masked_sort3A_38, %masked_sort3A_39, %masked_sort3A_40 = tpu.sort %get3A_36, %iota3A masked %masked_sort3A_37 {descending = true} : (vector<16xf32>, vector<16xi32>, vector<16xi1>) -> (vector<16xi1>, vector<16xf32>, vector<16xi32>)
    %swap3A_41 = arith.constant 2 : i32
    %swap3A_42 = arith.index_cast %swap3A_41 : i32 to index
    %swap3A_43 = arith.constant 0 : index
    %swap3A_44 = tpu.vector_load %arg6[%swap3A_42, %swap3A_43] {strides = array<i32>} : memref<64x16xi32, #tpu.memory_space<vmem>>, vector<16xi32>,
    tpu.vector_store %arg6[%swap3A_42, %swap3A_43], %masked_sort3A_40 {strides = array<i32>} : memref<64x16xi32, #tpu.memory_space<vmem>>, vector<16xi32>,
    %jit3A_45 = arith.constant 0.000000e+00 : f32
    %broadcast_in_dim3A_46 = vector.broadcast %jit3A_45 : f32 to vector<16xf32>
    %select_n3A_47 = arith.select %lt3A_4, %masked_sort3A_39, %broadcast_in_dim3A_46 : vector<16xi1>, vector<16xf32>
    %broadcast_in_dim3A_48 = arith.constant 2 : i32
    %broadcast_in_dim3A_49 = vector.broadcast %broadcast_in_dim3A_48 : i32 to vector<16xi32>
    tpu.vector_store_idx %arg7[%broadcast_in_dim3A_49, %masked_sort3A_40], %select_n3A_47 : memref<64x16xf32, #tpu.memory_space<vmem>>[vector<16xi32>, vector<16xi32>], vector<16xf32>,
    %get3A_50 = arith.constant 3 : i32
    %get3A_51 = arith.index_cast %get3A_50 : i32 to index
    %get3A_52 = arith.constant 0 : index
    %get3A_53 = tpu.vector_load %arg5[%get3A_51, %get3A_52] {strides = array<i32>} : memref<64x16xf32, #tpu.memory_space<vmem>>, vector<16xf32>,
    %masked_sort3A_54 = arith.constant dense<true> : vector<16xi1>
    %masked_sort3A_55, %masked_sort3A_56, %masked_sort3A_57 = tpu.sort %get3A_53, %iota3A masked %masked_sort3A_54 {descending = true} : (vector<16xf32>, vector<16xi32>, vector<16xi1>) -> (vector<16xi1>, vector<16xf32>, vector<16xi32>)
    %swap3A_58 = arith.constant 3 : i32
    %swap3A_59 = arith.index_cast %swap3A_58 : i32 to index
    %swap3A_60 = arith.constant 0 : index
    %swap3A_61 = tpu.vector_load %arg6[%swap3A_59, %swap3A_60] {strides = array<i32>} : memref<64x16xi32, #tpu.memory_space<vmem>>, vector<16xi32>,
    tpu.vector_store %arg6[%swap3A_59, %swap3A_60], %masked_sort3A_57 {strides = array<i32>} : memref<64x16xi32, #tpu.memory_space<vmem>>, vector<16xi32>,
    %jit3A_62 = arith.constant 0.000000e+00 : f32
    %broadcast_in_dim3A_63 = vector.broadcast %jit3A_62 : f32 to vector<16xf32>
    %select_n3A_64 = arith.select %lt3A_4, %masked_sort3A_56, %broadcast_in_dim3A_63 : vector<16xi1>, vector<16xf32>
    %broadcast_in_dim3A_65 = arith.constant 3 : i32
    %broadcast_in_dim3A_66 = vector.broadcast %broadcast_in_dim3A_65 : i32 to vector<16xi32>
    tpu.vector_store_idx %arg7[%broadcast_in_dim3A_66, %masked_sort3A_57], %select_n3A_64 : memref<64x16xf32, #tpu.memory_space<vmem>>[vector<16xi32>, vector<16xi32>], vector<16xf32>,
    %get3A_67 = arith.constant 4 : i32
    %get3A_68 = arith.index_cast %get3A_67 : i32 to index
    %get3A_69 = arith.constant 0 : index
    %get3A_70 = tpu.vector_load %arg5[%get3A_68, %get3A_69] {strides = array<i32>} : memref<64x16xf32, #tpu.memory_space<vmem>>, vector<16xf32>,
    %masked_sort3A_71 = arith.constant dense<true> : vector<16xi1>
    %masked_sort3A_72, %masked_sort3A_73, %masked_sort3A_74 = tpu.sort %get3A_70, %iota3A masked %masked_sort3A_71 {descending = true} : (vector<16xf32>, vector<16xi32>, vector<16xi1>) -> (vector<16xi1>, vector<16xf32>, vector<16xi32>)
    %swap3A_75 = arith.constant 4 : i32
    %swap3A_76 = arith.index_cast %swap3A_75 : i32 to index
    %swap3A_77 = arith.constant 0 : index
    %swap3A_78 = tpu.vector_load %arg6[%swap3A_76, %swap3A_77] {strides = array<i32>} : memref<64x16xi32, #tpu.memory_space<vmem>>, vector<16xi32>,
    tpu.vector_store %arg6[%swap3A_76, %swap3A_77], %masked_sort3A_74 {strides = array<i32>} : memref<64x16xi32, #tpu.memory_space<vmem>>, vector<16xi32>,
    %jit3A_79 = arith.constant 0.000000e+00 : f32
    %broadcast_in_dim3A_80 = vector.broadcast %jit3A_79 : f32 to vector<16xf32>
    %select_n3A_81 = arith.select %lt3A_4, %masked_sort3A_73, %broadcast_in_dim3A_80 : vector<16xi1>, vector<16xf32>
    %broadcast_in_dim3A_82 = arith.constant 4 : i32
    %broadcast_in_dim3A_83 = vector.broadcast %broadcast_in_dim3A_82 : i32 to vector<16xi32>
    tpu.vector_store_idx %arg7[%broadcast_in_dim3A_83, %masked_sort3A_74], %select_n3A_81 : memref<64x16xf32, #tpu.memory_space<vmem>>[vector<16xi32>, vector<16xi32>], vector<16xf32>,
    %get3A_84 = arith.constant 5 : i32
    %get3A_85 = arith.index_cast %get3A_84 : i32 to index
    %get3A_86 = arith.constant 0 : index
    %get3A_87 = tpu.vector_load %arg5[%get3A_85, %get3A_86] {strides = array<i32>} : memref<64x16xf32, #tpu.memory_space<vmem>>, vector<16xf32>,
    %masked_sort3A_88 = arith.constant dense<true> : vector<16xi1>
    %masked_sort3A_89, %masked_sort3A_90, %masked_sort3A_91 = tpu.sort %get3A_87, %iota3A masked %masked_sort3A_88 {descending = true} : (vector<16xf32>, vector<16xi32>, vector<16xi1>) -> (vector<16xi1>, vector<16xf32>, vector<16xi32>)
    %swap3A_92 = arith.constant 5 : i32
    %swap3A_93 = arith.index_cast %swap3A_92 : i32 to index
    %swap3A_94 = arith.constant 0 : index
    %swap3A_95 = tpu.vector_load %arg6[%swap3A_93, %swap3A_94] {strides = array<i32>} : memref<64x16xi32, #tpu.memory_space<vmem>>, vector<16xi32>,
    tpu.vector_store %arg6[%swap3A_93, %swap3A_94], %masked_sort3A_91 {strides = array<i32>} : memref<64x16xi32, #tpu.memory_space<vmem>>, vector<16xi32>,
    %jit3A_96 = arith.constant 0.000000e+00 : f32
    %broadcast_in_dim3A_97 = vector.broadcast %jit3A_96 : f32 to vector<16xf32>
    %select_n3A_98 = arith.select %lt3A_4, %masked_sort3A_90, %broadcast_in_dim3A_97 : vector<16xi1>, vector<16xf32>
    %broadcast_in_dim3A_99 = arith.constant 5 : i32
    %broadcast_in_dim3A_100 = vector.broadcast %broadcast_in_dim3A_99 : i32 to vector<16xi32>
    tpu.vector_store_idx %arg7[%broadcast_in_dim3A_100, %masked_sort3A_91], %select_n3A_98 : memref<64x16xf32, #tpu.memory_space<vmem>>[vector<16xi32>, vector<16xi32>], vector<16xf32>,
    %get3A_101 = arith.constant 6 : i32
    %get3A_102 = arith.index_cast %get3A_101 : i32 to index
    %get3A_103 = arith.constant 0 : index
    %get3A_104 = tpu.vector_load %arg5[%get3A_102, %get3A_103] {strides = array<i32>} : memref<64x16xf32, #tpu.memory_space<vmem>>, vector<16xf32>,
    %masked_sort3A_105 = arith.constant dense<true> : vector<16xi1>
    %masked_sort3A_106, %masked_sort3A_107, %masked_sort3A_108 = tpu.sort %get3A_104, %iota3A masked %masked_sort3A_105 {descending = true} : (vector<16xf32>, vector<16xi32>, vector<16xi1>) -> (vector<16xi1>, vector<16xf32>, vector<16xi32>)
    %swap3A_109 = arith.constant 6 : i32
    %swap3A_110 = arith.index_cast %swap3A_109 : i32 to index
    %swap3A_111 = arith.constant 0 : index
    %swap3A_112 = tpu.vector_load %arg6[%swap3A_110, %swap3A_111] {strides = array<i32>} : memref<64x16xi32, #tpu.memory_space<vmem>>, vector<16xi32>,
    tpu.vector_store %arg6[%swap3A_110, %swap3A_111], %masked_sort3A_108 {strides = array<i32>} : memref<64x16xi32, #tpu.memory_space<vmem>>, vector<16xi32>,
    %jit3A_113 = arith.constant 0.000000e+00 : f32
    %broadcast_in_dim3A_114 = vector.broadcast %jit3A_113 : f32 to vector<16xf32>
    %select_n3A_115 = arith.select %lt3A_4, %masked_sort3A_107, %broadcast_in_dim3A_114 : vector<16xi1>, vector<16xf32>
    %broadcast_in_dim3A_116 = arith.constant 6 : i32
    %broadcast_in_dim3A_117 = vector.broadcast %broadcast_in_dim3A_116 : i32 to vector<16xi32>
    tpu.vector_store_idx %arg7[%broadcast_in_dim3A_117, %masked_sort3A_108], %select_n3A_115 : memref<64x16xf32, #tpu.memory_space<vmem>>[vector<16xi32>, vector<16xi32>], vector<16xf32>,
    %get3A_118 = arith.constant 7 : i32
    %get3A_119 = arith.index_cast %get3A_118 : i32 to index
    %get3A_120 = arith.constant 0 : index
    %get3A_121 = tpu.vector_load %arg5[%get3A_119, %get3A_120] {strides = array<i32>} : memref<64x16xf32, #tpu.memory_space<vmem>>, vector<16xf32>,
    %masked_sort3A_122 = arith.constant dense<true> : vector<16xi1>
    %masked_sort3A_123, %masked_sort3A_124, %masked_sort3A_125 = tpu.sort %get3A_121, %iota3A masked %masked_sort3A_122 {descending = true} : (vector<16xf32>, vector<16xi32>, vector<16xi1>) -> (vector<16xi1>, vector<16xf32>, vector<16xi32>)
    %swap3A_126 = arith.constant 7 : i32
    %swap3A_127 = arith.index_cast %swap3A_126 : i32 to index
    %swap3A_128 = arith.constant 0 : index
    %swap3A_129 = tpu.vector_load %arg6[%swap3A_127, %swap3A_128] {strides = array<i32>} : memref<64x16xi32, #tpu.memory_space<vmem>>, vector<16xi32>,
    tpu.vector_store %arg6[%swap3A_127, %swap3A_128], %masked_sort3A_125 {strides = array<i32>} : memref<64x16xi32, #tpu.memory_space<vmem>>, vector<16xi32>,
    %jit3A_130 = arith.constant 0.000000e+00 : f32
    %broadcast_in_dim3A_131 = vector.broadcast %jit3A_130 : f32 to vector<16xf32>
    %select_n3A_132 = arith.select %lt3A_4, %masked_sort3A_124, %broadcast_in_dim3A_131 : vector<16xi1>, vector<16xf32>
    %broadcast_in_dim3A_133 = arith.constant 7 : i32
    %broadcast_in_dim3A_134 = vector.broadcast %broadcast_in_dim3A_133 : i32 to vector<16xi32>
    tpu.vector_store_idx %arg7[%broadcast_in_dim3A_134, %masked_sort3A_125], %select_n3A_132 : memref<64x16xf32, #tpu.memory_space<vmem>>[vector<16xi32>, vector<16xi32>], vector<16xf32>,
    %get3A_135 = arith.constant 8 : i32
    %get3A_136 = arith.index_cast %get3A_135 : i32 to index
    %get3A_137 = arith.constant 0 : index
    %get3A_138 = tpu.vector_load %arg5[%get3A_136, %get3A_137] {strides = array<i32>} : memref<64x16xf32, #tpu.memory_space<vmem>>, vector<16xf32>,
    %masked_sort3A_139 = arith.constant dense<true> : vector<16xi1>
    %masked_sort3A_140, %masked_sort3A_141, %masked_sort3A_142 = tpu.sort %get3A_138, %iota3A masked %masked_sort3A_139 {descending = true} : (vector<16xf32>, vector<16xi32>, vector<16xi1>) -> (vector<16xi1>, vector<16xf32>, vector<16xi32>)
    %swap3A_143 = arith.constant 8 : i32
    %swap3A_144 = arith.index_cast %swap3A_143 : i32 to index
    %swap3A_145 = arith.constant 0 : index
    %swap3A_146 = tpu.vector_load %arg6[%swap3A_144, %swap3A_145] {strides = array<i32>} : memref<64x16xi32, #tpu.memory_space<vmem>>, vector<16xi32>,
    tpu.vector_store %arg6[%swap3A_144, %swap3A_145], %masked_sort3A_142 {strides = array<i32>} : memref<64x16xi32, #tpu.memory_space<vmem>>, vector<16xi32>,
    %jit3A_147 = arith.constant 0.000000e+00 : f32
    %broadcast_in_dim3A_148 = vector.broadcast %jit3A_147 : f32 to vector<16xf32>
    %select_n3A_149 = arith.select %lt3A_4, %masked_sort3A_141, %broadcast_in_dim3A_148 : vector<16xi1>, vector<16xf32>
    %broadcast_in_dim3A_150 = arith.constant 8 : i32
    %broadcast_in_dim3A_151 = vector.broadcast %broadcast_in_dim3A_150 : i32 to vector<16xi32>
    tpu.vector_store_idx %arg7[%broadcast_in_dim3A_151, %masked_sort3A_142], %select_n3A_149 : memref<64x16xf32, #tpu.memory_space<vmem>>[vector<16xi32>, vector<16xi32>], vector<16xf32>,
    %get3A_152 = arith.constant 9 : i32
    %get3A_153 = arith.index_cast %get3A_152 : i32 to index
    %get3A_154 = arith.constant 0 : index
    %get3A_155 = tpu.vector_load %arg5[%get3A_153, %get3A_154] {strides = array<i32>} : memref<64x16xf32, #tpu.memory_space<vmem>>, vector<16xf32>,
    %masked_sort3A_156 = arith.constant dense<true> : vector<16xi1>
    %masked_sort3A_157, %masked_sort3A_158, %masked_sort3A_159 = tpu.sort %get3A_155, %iota3A masked %masked_sort3A_156 {descending = true} : (vector<16xf32>, vector<16xi32>, vector<16xi1>) -> (vector<16xi1>, vector<16xf32>, vector<16xi32>)
    %swap3A_160 = arith.constant 9 : i32
    %swap3A_161 = arith.index_cast %swap3A_160 : i32 to index
    %swap3A_162 = arith.constant 0 : index
    %swap3A_163 = tpu.vector_load %arg6[%swap3A_161, %swap3A_162] {strides = array<i32>} : memref<64x16xi32, #tpu.memory_space<vmem>>, vector<16xi32>,
    tpu.vector_store %arg6[%swap3A_161, %swap3A_162], %masked_sort3A_159 {strides = array<i32>} : memref<64x16xi32, #tpu.memory_space<vmem>>, vector<16xi32>,
    %jit3A_164 = arith.constant 0.000000e+00 : f32
    %broadcast_in_dim3A_165 = vector.broadcast %jit3A_164 : f32 to vector<16xf32>
    %select_n3A_166 = arith.select %lt3A_4, %masked_sort3A_158, %broadcast_in_dim3A_165 : vector<16xi1>, vector<16xf32>
    %broadcast_in_dim3A_167 = arith.constant 9 : i32
    %broadcast_in_dim3A_168 = vector.broadcast %broadcast_in_dim3A_167 : i32 to vector<16xi32>
    tpu.vector_store_idx %arg7[%broadcast_in_dim3A_168, %masked_sort3A_159], %select_n3A_166 : memref<64x16xf32, #tpu.memory_space<vmem>>[vector<16xi32>, vector<16xi32>], vector<16xf32>,
    %get3A_169 = arith.constant 10 : i32
    %get3A_170 = arith.index_cast %get3A_169 : i32 to index
    %get3A_171 = arith.constant 0 : index
    %get3A_172 = tpu.vector_load %arg5[%get3A_170, %get3A_171] {strides = array<i32>} : memref<64x16xf32, #tpu.memory_space<vmem>>, vector<16xf32>,
    %masked_sort3A_173 = arith.constant dense<true> : vector<16xi1>
    %masked_sort3A_174, %masked_sort3A_175, %masked_sort3A_176 = tpu.sort %get3A_172, %iota3A masked %masked_sort3A_173 {descending = true} : (vector<16xf32>, vector<16xi32>, vector<16xi1>) -> (vector<16xi1>, vector<16xf32>, vector<16xi32>)
    %swap3A_177 = arith.constant 10 : i32
    %swap3A_178 = arith.index_cast %swap3A_177 : i32 to index
    %swap3A_179 = arith.constant 0 : index
    %swap3A_180 = tpu.vector_load %arg6[%swap3A_178, %swap3A_179] {strides = array<i32>} : memref<64x16xi32, #tpu.memory_space<vmem>>, vector<16xi32>,
    tpu.vector_store %arg6[%swap3A_178, %swap3A_179], %masked_sort3A_176 {strides = array<i32>} : memref<64x16xi32, #tpu.memory_space<vmem>>, vector<16xi32>,
    %jit3A_181 = arith.constant 0.000000e+00 : f32
    %broadcast_in_dim3A_182 = vector.broadcast %jit3A_181 : f32 to vector<16xf32>
    %select_n3A_183 = arith.select %lt3A_4, %masked_sort3A_175, %broadcast_in_dim3A_182 : vector<16xi1>, vector<16xf32>
    %broadcast_in_dim3A_184 = arith.constant 10 : i32
    %broadcast_in_dim3A_185 = vector.broadcast %broadcast_in_dim3A_184 : i32 to vector<16xi32>
    tpu.vector_store_idx %arg7[%broadcast_in_dim3A_185, %masked_sort3A_176], %select_n3A_183 : memref<64x16xf32, #tpu.memory_space<vmem>>[vector<16xi32>, vector<16xi32>], vector<16xf32>,
    %get3A_186 = arith.constant 11 : i32
    %get3A_187 = arith.index_cast %get3A_186 : i32 to index
    %get3A_188 = arith.constant 0 : index
    %get3A_189 = tpu.vector_load %arg5[%get3A_187, %get3A_188] {strides = array<i32>} : memref<64x16xf32, #tpu.memory_space<vmem>>, vector<16xf32>,
    %masked_sort3A_190 = arith.constant dense<true> : vector<16xi1>
    %masked_sort3A_191, %masked_sort3A_192, %masked_sort3A_193 = tpu.sort %get3A_189, %iota3A masked %masked_sort3A_190 {descending = true} : (vector<16xf32>, vector<16xi32>, vector<16xi1>) -> (vector<16xi1>, vector<16xf32>, vector<16xi32>)
    %swap3A_194 = arith.constant 11 : i32
    %swap3A_195 = arith.index_cast %swap3A_194 : i32 to index
    %swap3A_196 = arith.constant 0 : index
    %swap3A_197 = tpu.vector_load %arg6[%swap3A_195, %swap3A_196] {strides = array<i32>} : memref<64x16xi32, #tpu.memory_space<vmem>>, vector<16xi32>,
    tpu.vector_store %arg6[%swap3A_195, %swap3A_196], %masked_sort3A_193 {strides = array<i32>} : memref<64x16xi32, #tpu.memory_space<vmem>>, vector<16xi32>,
    %jit3A_198 = arith.constant 0.000000e+00 : f32
    %broadcast_in_dim3A_199 = vector.broadcast %jit3A_198 : f32 to vector<16xf32>
    %select_n3A_200 = arith.select %lt3A_4, %masked_sort3A_192, %broadcast_in_dim3A_199 : vector<16xi1>, vector<16xf32>
    %broadcast_in_dim3A_201 = arith.constant 11 : i32
    %broadcast_in_dim3A_202 = vector.broadcast %broadcast_in_dim3A_201 : i32 to vector<16xi32>
    tpu.vector_store_idx %arg7[%broadcast_in_dim3A_202, %masked_sort3A_193], %select_n3A_200 : memref<64x16xf32, #tpu.memory_space<vmem>>[vector<16xi32>, vector<16xi32>], vector<16xf32>,
    %get3A_203 = arith.constant 12 : i32
    %get3A_204 = arith.index_cast %get3A_203 : i32 to index
    %get3A_205 = arith.constant 0 : index
    %get3A_206 = tpu.vector_load %arg5[%get3A_204, %get3A_205] {strides = array<i32>} : memref<64x16xf32, #tpu.memory_space<vmem>>, vector<16xf32>,
    %masked_sort3A_207 = arith.constant dense<true> : vector<16xi1>
    %masked_sort3A_208, %masked_sort3A_209, %masked_sort3A_210 = tpu.sort %get3A_206, %iota3A masked %masked_sort3A_207 {descending = true} : (vector<16xf32>, vector<16xi32>, vector<16xi1>) -> (vector<16xi1>, vector<16xf32>, vector<16xi32>)
    %swap3A_211 = arith.constant 12 : i32
    %swap3A_212 = arith.index_cast %swap3A_211 : i32 to index
    %swap3A_213 = arith.constant 0 : index
    %swap3A_214 = tpu.vector_load %arg6[%swap3A_212, %swap3A_213] {strides = array<i32>} : memref<64x16xi32, #tpu.memory_space<vmem>>, vector<16xi32>,
    tpu.vector_store %arg6[%swap3A_212, %swap3A_213], %masked_sort3A_210 {strides = array<i32>} : memref<64x16xi32, #tpu.memory_space<vmem>>, vector<16xi32>,
    %jit3A_215 = arith.constant 0.000000e+00 : f32
    %broadcast_in_dim3A_216 = vector.broadcast %jit3A_215 : f32 to vector<16xf32>
    %select_n3A_217 = arith.select %lt3A_4, %masked_sort3A_209, %broadcast_in_dim3A_216 : vector<16xi1>, vector<16xf32>
    %broadcast_in_dim3A_218 = arith.constant 12 : i32
    %broadcast_in_dim3A_219 = vector.broadcast %broadcast_in_dim3A_218 : i32 to vector<16xi32>
    tpu.vector_store_idx %arg7[%broadcast_in_dim3A_219, %masked_sort3A_210], %select_n3A_217 : memref<64x16xf32, #tpu.memory_space<vmem>>[vector<16xi32>, vector<16xi32>], vector<16xf32>,
    %get3A_220 = arith.constant 13 : i32
    %get3A_221 = arith.index_cast %get3A_220 : i32 to index
    %get3A_222 = arith.constant 0 : index
    %get3A_223 = tpu.vector_load %arg5[%get3A_221, %get3A_222] {strides = array<i32>} : memref<64x16xf32, #tpu.memory_space<vmem>>, vector<16xf32>,
    %masked_sort3A_224 = arith.constant dense<true> : vector<16xi1>
    %masked_sort3A_225, %masked_sort3A_226, %masked_sort3A_227 = tpu.sort %get3A_223, %iota3A masked %masked_sort3A_224 {descending = true} : (vector<16xf32>, vector<16xi32>, vector<16xi1>) -> (vector<16xi1>, vector<16xf32>, vector<16xi32>)
    %swap3A_228 = arith.constant 13 : i32
    %swap3A_229 = arith.index_cast %swap3A_228 : i32 to index
    %swap3A_230 = arith.constant 0 : index
    %swap3A_231 = tpu.vector_load %arg6[%swap3A_229, %swap3A_230] {strides = array<i32>} : memref<64x16xi32, #tpu.memory_space<vmem>>, vector<16xi32>,
    tpu.vector_store %arg6[%swap3A_229, %swap3A_230], %masked_sort3A_227 {strides = array<i32>} : memref<64x16xi32, #tpu.memory_space<vmem>>, vector<16xi32>,
    %jit3A_232 = arith.constant 0.000000e+00 : f32
    %broadcast_in_dim3A_233 = vector.broadcast %jit3A_232 : f32 to vector<16xf32>
    %select_n3A_234 = arith.select %lt3A_4, %masked_sort3A_226, %broadcast_in_dim3A_233 : vector<16xi1>, vector<16xf32>
    %broadcast_in_dim3A_235 = arith.constant 13 : i32
    %broadcast_in_dim3A_236 = vector.broadcast %broadcast_in_dim3A_235 : i32 to vector<16xi32>
    tpu.vector_store_idx %arg7[%broadcast_in_dim3A_236, %masked_sort3A_227], %select_n3A_234 : memref<64x16xf32, #tpu.memory_space<vmem>>[vector<16xi32>, vector<16xi32>], vector<16xf32>,
    %get3A_237 = arith.constant 14 : i32
    %get3A_238 = arith.index_cast %get3A_237 : i32 to index
    %get3A_239 = arith.constant 0 : index
    %get3A_240 = tpu.vector_load %arg5[%get3A_238, %get3A_239] {strides = array<i32>} : memref<64x16xf32, #tpu.memory_space<vmem>>, vector<16xf32>,
    %masked_sort3A_241 = arith.constant dense<true> : vector<16xi1>
    %masked_sort3A_242, %masked_sort3A_243, %masked_sort3A_244 = tpu.sort %get3A_240, %iota3A masked %masked_sort3A_241 {descending = true} : (vector<16xf32>, vector<16xi32>, vector<16xi1>) -> (vector<16xi1>, vector<16xf32>, vector<16xi32>)
    %swap3A_245 = arith.constant 14 : i32
    %swap3A_246 = arith.index_cast %swap3A_245 : i32 to index
    %swap3A_247 = arith.constant 0 : index
    %swap3A_248 = tpu.vector_load %arg6[%swap3A_246, %swap3A_247] {strides = array<i32>} : memref<64x16xi32, #tpu.memory_space<vmem>>, vector<16xi32>,
    tpu.vector_store %arg6[%swap3A_246, %swap3A_247], %masked_sort3A_244 {strides = array<i32>} : memref<64x16xi32, #tpu.memory_space<vmem>>, vector<16xi32>,
    %jit3A_249 = arith.constant 0.000000e+00 : f32
    %broadcast_in_dim3A_250 = vector.broadcast %jit3A_249 : f32 to vector<16xf32>
    %select_n3A_251 = arith.select %lt3A_4, %masked_sort3A_243, %broadcast_in_dim3A_250 : vector<16xi1>, vector<16xf32>
    %broadcast_in_dim3A_252 = arith.constant 14 : i32
    %broadcast_in_dim3A_253 = vector.broadcast %broadcast_in_dim3A_252 : i32 to vector<16xi32>
    tpu.vector_store_idx %arg7[%broadcast_in_dim3A_253, %masked_sort3A_244], %select_n3A_251 : memref<64x16xf32, #tpu.memory_space<vmem>>[vector<16xi32>, vector<16xi32>], vector<16xf32>,
    %get3A_254 = arith.constant 15 : i32
    %get3A_255 = arith.index_cast %get3A_254 : i32 to index
    %get3A_256 = arith.constant 0 : index
    %get3A_257 = tpu.vector_load %arg5[%get3A_255, %get3A_256] {strides = array<i32>} : memref<64x16xf32, #tpu.memory_space<vmem>>, vector<16xf32>,
    %masked_sort3A_258 = arith.constant dense<true> : vector<16xi1>
    %masked_sort3A_259, %masked_sort3A_260, %masked_sort3A_261 = tpu.sort %get3A_257, %iota3A masked %masked_sort3A_258 {descending = true} : (vector<16xf32>, vector<16xi32>, vector<16xi1>) -> (vector<16xi1>, vector<16xf32>, vector<16xi32>)
    %swap3A_262 = arith.constant 15 : i32
    %swap3A_263 = arith.index_cast %swap3A_262 : i32 to index
    %swap3A_264 = arith.constant 0 : index
    %swap3A_265 = tpu.vector_load %arg6[%swap3A_263, %swap3A_264] {strides = array<i32>} : memref<64x16xi32, #tpu.memory_space<vmem>>, vector<16xi32>,
    tpu.vector_store %arg6[%swap3A_263, %swap3A_264], %masked_sort3A_261 {strides = array<i32>} : memref<64x16xi32, #tpu.memory_space<vmem>>, vector<16xi32>,
    %jit3A_266 = arith.constant 0.000000e+00 : f32
    %broadcast_in_dim3A_267 = vector.broadcast %jit3A_266 : f32 to vector<16xf32>
    %select_n3A_268 = arith.select %lt3A_4, %masked_sort3A_260, %broadcast_in_dim3A_267 : vector<16xi1>, vector<16xf32>
    %broadcast_in_dim3A_269 = arith.constant 15 : i32
    %broadcast_in_dim3A_270 = vector.broadcast %broadcast_in_dim3A_269 : i32 to vector<16xi32>
    tpu.vector_store_idx %arg7[%broadcast_in_dim3A_270, %masked_sort3A_261], %select_n3A_268 : memref<64x16xf32, #tpu.memory_space<vmem>>[vector<16xi32>, vector<16xi32>], vector<16xf32>,
    %get3A_271 = arith.constant 16 : i32
    %get3A_272 = arith.index_cast %get3A_271 : i32 to index
    %get3A_273 = arith.constant 0 : index
    %get3A_274 = tpu.vector_load %arg5[%get3A_272, %get3A_273] {strides = array<i32>} : memref<64x16xf32, #tpu.memory_space<vmem>>, vector<16xf32>,
    %masked_sort3A_275 = arith.constant dense<true> : vector<16xi1>
    %masked_sort3A_276, %masked_sort3A_277, %masked_sort3A_278 = tpu.sort %get3A_274, %iota3A masked %masked_sort3A_275 {descending = true} : (vector<16xf32>, vector<16xi32>, vector<16xi1>) -> (vector<16xi1>, vector<16xf32>, vector<16xi32>)
    %swap3A_279 = arith.constant 16 : i32
    %swap3A_280 = arith.index_cast %swap3A_279 : i32 to index
    %swap3A_281 = arith.constant 0 : index
    %swap3A_282 = tpu.vector_load %arg6[%swap3A_280, %swap3A_281] {strides = array<i32>} : memref<64x16xi32, #tpu.memory_space<vmem>>, vector<16xi32>,
    tpu.vector_store %arg6[%swap3A_280, %swap3A_281], %masked_sort3A_278 {strides = array<i32>} : memref<64x16xi32, #tpu.memory_space<vmem>>, vector<16xi32>,
    %jit3A_283 = arith.constant 0.000000e+00 : f32
    %broadcast_in_dim3A_284 = vector.broadcast %jit3A_283 : f32 to vector<16xf32>
    %select_n3A_285 = arith.select %lt3A_4, %masked_sort3A_277, %broadcast_in_dim3A_284 : vector<16xi1>, vector<16xf32>
    %broadcast_in_dim3A_286 = arith.constant 16 : i32
    %broadcast_in_dim3A_287 = vector.broadcast %broadcast_in_dim3A_286 : i32 to vector<16xi32>
    tpu.vector_store_idx %arg7[%broadcast_in_dim3A_287, %masked_sort3A_278], %select_n3A_285 : memref<64x16xf32, #tpu.memory_space<vmem>>[vector<16xi32>, vector<16xi32>], vector<16xf32>,
    %get3A_288 = arith.constant 17 : i32
    %get3A_289 = arith.index_cast %get3A_288 : i32 to index
    %get3A_290 = arith.constant 0 : index
    %get3A_291 = tpu.vector_load %arg5[%get3A_289, %get3A_290] {strides = array<i32>} : memref<64x16xf32, #tpu.memory_space<vmem>>, vector<16xf32>,
    %masked_sort3A_292 = arith.constant dense<true> : vector<16xi1>
    %masked_sort3A_293, %masked_sort3A_294, %masked_sort3A_295 = tpu.sort %get3A_291, %iota3A masked %masked_sort3A_292 {descending = true} : (vector<16xf32>, vector<16xi32>, vector<16xi1>) -> (vector<16xi1>, vector<16xf32>, vector<16xi32>)
    %swap3A_296 = arith.constant 17 : i32
    %swap3A_297 = arith.index_cast %swap3A_296 : i32 to index
    %swap3A_298 = arith.constant 0 : index
    %swap3A_299 = tpu.vector_load %arg6[%swap3A_297, %swap3A_298] {strides = array<i32>} : memref<64x16xi32, #tpu.memory_space<vmem>>, vector<16xi32>,
    tpu.vector_store %arg6[%swap3A_297, %swap3A_298], %masked_sort3A_295 {strides = array<i32>} : memref<64x16xi32, #tpu.memory_space<vmem>>, vector<16xi32>,
    %jit3A_300 = arith.constant 0.000000e+00 : f32
    %broadcast_in_dim3A_301 = vector.broadcast %jit3A_300 : f32 to vector<16xf32>
    %select_n3A_302 = arith.select %lt3A_4, %masked_sort3A_294, %broadcast_in_dim3A_301 : vector<16xi1>, vector<16xf32>
    %broadcast_in_dim3A_303 = arith.constant 17 : i32
    %broadcast_in_dim3A_304 = vector.broadcast %broadcast_in_dim3A_303 : i32 to vector<16xi32>
    tpu.vector_store_idx %arg7[%broadcast_in_dim3A_304, %masked_sort3A_295], %select_n3A_302 : memref<64x16xf32, #tpu.memory_space<vmem>>[vector<16xi32>, vector<16xi32>], vector<16xf32>,
    %get3A_305 = arith.constant 18 : i32
    %get3A_306 = arith.index_cast %get3A_305 : i32 to index
    %get3A_307 = arith.constant 0 : index
    %get3A_308 = tpu.vector_load %arg5[%get3A_306, %get3A_307] {strides = array<i32>} : memref<64x16xf32, #tpu.memory_space<vmem>>, vector<16xf32>,
    %masked_sort3A_309 = arith.constant dense<true> : vector<16xi1>
    %masked_sort3A_310, %masked_sort3A_311, %masked_sort3A_312 = tpu.sort %get3A_308, %iota3A masked %masked_sort3A_309 {descending = true} : (vector<16xf32>, vector<16xi32>, vector<16xi1>) -> (vector<16xi1>, vector<16xf32>, vector<16xi32>)
    %swap3A_313 = arith.constant 18 : i32
    %swap3A_314 = arith.index_cast %swap3A_313 : i32 to index
    %swap3A_315 = arith.constant 0 : index
    %swap3A_316 = tpu.vector_load %arg6[%swap3A_314, %swap3A_315] {strides = array<i32>} : memref<64x16xi32, #tpu.memory_space<vmem>>, vector<16xi32>,
    tpu.vector_store %arg6[%swap3A_314, %swap3A_315], %masked_sort3A_312 {strides = array<i32>} : memref<64x16xi32, #tpu.memory_space<vmem>>, vector<16xi32>,
    %jit3A_317 = arith.constant 0.000000e+00 : f32
    %broadcast_in_dim3A_318 = vector.broadcast %jit3A_317 : f32 to vector<16xf32>
    %select_n3A_319 = arith.select %lt3A_4, %masked_sort3A_311, %broadcast_in_dim3A_318 : vector<16xi1>, vector<16xf32>
    %broadcast_in_dim3A_320 = arith.constant 18 : i32
    %broadcast_in_dim3A_321 = vector.broadcast %broadcast_in_dim3A_320 : i32 to vector<16xi32>
    tpu.vector_store_idx %arg7[%broadcast_in_dim3A_321, %masked_sort3A_312], %select_n3A_319 : memref<64x16xf32, #tpu.memory_space<vmem>>[vector<16xi32>, vector<16xi32>], vector<16xf32>,
    %get3A_322 = arith.constant 19 : i32
    %get3A_323 = arith.index_cast %get3A_322 : i32 to index
    %get3A_324 = arith.constant 0 : index
    %get3A_325 = tpu.vector_load %arg5[%get3A_323, %get3A_324] {strides = array<i32>} : memref<64x16xf32, #tpu.memory_space<vmem>>, vector<16xf32>,
    %masked_sort3A_326 = arith.constant dense<true> : vector<16xi1>
    %masked_sort3A_327, %masked_sort3A_328, %masked_sort3A_329 = tpu.sort %get3A_325, %iota3A masked %masked_sort3A_326 {descending = true} : (vector<16xf32>, vector<16xi32>, vector<16xi1>) -> (vector<16xi1>, vector<16xf32>, vector<16xi32>)
    %swap3A_330 = arith.constant 19 : i32
    %swap3A_331 = arith.index_cast %swap3A_330 : i32 to index
    %swap3A_332 = arith.constant 0 : index
    %swap3A_333 = tpu.vector_load %arg6[%swap3A_331, %swap3A_332] {strides = array<i32>} : memref<64x16xi32, #tpu.memory_space<vmem>>, vector<16xi32>,
    tpu.vector_store %arg6[%swap3A_331, %swap3A_332], %masked_sort3A_329 {strides = array<i32>} : memref<64x16xi32, #tpu.memory_space<vmem>>, vector<16xi32>,
    %jit3A_334 = arith.constant 0.000000e+00 : f32
    %broadcast_in_dim3A_335 = vector.broadcast %jit3A_334 : f32 to vector<16xf32>
    %select_n3A_336 = arith.select %lt3A_4, %masked_sort3A_328, %broadcast_in_dim3A_335 : vector<16xi1>, vector<16xf32>
    %broadcast_in_dim3A_337 = arith.constant 19 : i32
    %broadcast_in_dim3A_338 = vector.broadcast %broadcast_in_dim3A_337 : i32 to vector<16xi32>
    tpu.vector_store_idx %arg7[%broadcast_in_dim3A_338, %masked_sort3A_329], %select_n3A_336 : memref<64x16xf32, #tpu.memory_space<vmem>>[vector<16xi32>, vector<16xi32>], vector<16xf32>,
    %get3A_339 = arith.constant 20 : i32
    %get3A_340 = arith.index_cast %get3A_339 : i32 to index
    %get3A_341 = arith.constant 0 : index
    %get3A_342 = tpu.vector_load %arg5[%get3A_340, %get3A_341] {strides = array<i32>} : memref<64x16xf32, #tpu.memory_space<vmem>>, vector<16xf32>,
    %masked_sort3A_343 = arith.constant dense<true> : vector<16xi1>
    %masked_sort3A_344, %masked_sort3A_345, %masked_sort3A_346 = tpu.sort %get3A_342, %iota3A masked %masked_sort3A_343 {descending = true} : (vector<16xf32>, vector<16xi32>, vector<16xi1>) -> (vector<16xi1>, vector<16xf32>, vector<16xi32>)
    %swap3A_347 = arith.constant 20 : i32
    %swap3A_348 = arith.index_cast %swap3A_347 : i32 to index
    %swap3A_349 = arith.constant 0 : index
    %swap3A_350 = tpu.vector_load %arg6[%swap3A_348, %swap3A_349] {strides = array<i32>} : memref<64x16xi32, #tpu.memory_space<vmem>>, vector<16xi32>,
    tpu.vector_store %arg6[%swap3A_348, %swap3A_349], %masked_sort3A_346 {strides = array<i32>} : memref<64x16xi32, #tpu.memory_space<vmem>>, vector<16xi32>,
    %jit3A_351 = arith.constant 0.000000e+00 : f32
    %broadcast_in_dim3A_352 = vector.broadcast %jit3A_351 : f32 to vector<16xf32>
    %select_n3A_353 = arith.select %lt3A_4, %masked_sort3A_345, %broadcast_in_dim3A_352 : vector<16xi1>, vector<16xf32>
    %broadcast_in_dim3A_354 = arith.constant 20 : i32
    %broadcast_in_dim3A_355 = vector.broadcast %broadcast_in_dim3A_354 : i32 to vector<16xi32>
    tpu.vector_store_idx %arg7[%broadcast_in_dim3A_355, %masked_sort3A_346], %select_n3A_353 : memref<64x16xf32, #tpu.memory_space<vmem>>[vector<16xi32>, vector<16xi32>], vector<16xf32>,
    %get3A_356 = arith.constant 21 : i32
    %get3A_357 = arith.index_cast %get3A_356 : i32 to index
    %get3A_358 = arith.constant 0 : index
    %get3A_359 = tpu.vector_load %arg5[%get3A_357, %get3A_358] {strides = array<i32>} : memref<64x16xf32, #tpu.memory_space<vmem>>, vector<16xf32>,
    %masked_sort3A_360 = arith.constant dense<true> : vector<16xi1>
    %masked_sort3A_361, %masked_sort3A_362, %masked_sort3A_363 = tpu.sort %get3A_359, %iota3A masked %masked_sort3A_360 {descending = true} : (vector<16xf32>, vector<16xi32>, vector<16xi1>) -> (vector<16xi1>, vector<16xf32>, vector<16xi32>)
    %swap3A_364 = arith.constant 21 : i32
    %swap3A_365 = arith.index_cast %swap3A_364 : i32 to index
    %swap3A_366 = arith.constant 0 : index
    %swap3A_367 = tpu.vector_load %arg6[%swap3A_365, %swap3A_366] {strides = array<i32>} : memref<64x16xi32, #tpu.memory_space<vmem>>, vector<16xi32>,
    tpu.vector_store %arg6[%swap3A_365, %swap3A_366], %masked_sort3A_363 {strides = array<i32>} : memref<64x16xi32, #tpu.memory_space<vmem>>, vector<16xi32>,
    %jit3A_368 = arith.constant 0.000000e+00 : f32
    %broadcast_in_dim3A_369 = vector.broadcast %jit3A_368 : f32 to vector<16xf32>
    %select_n3A_370 = arith.select %lt3A_4, %masked_sort3A_362, %broadcast_in_dim3A_369 : vector<16xi1>, vector<16xf32>
    %broadcast_in_dim3A_371 = arith.constant 21 : i32
    %broadcast_in_dim3A_372 = vector.broadcast %broadcast_in_dim3A_371 : i32 to vector<16xi32>
    tpu.vector_store_idx %arg7[%broadcast_in_dim3A_372, %masked_sort3A_363], %select_n3A_370 : memref<64x16xf32, #tpu.memory_space<vmem>>[vector<16xi32>, vector<16xi32>], vector<16xf32>,
    %get3A_373 = arith.constant 22 : i32
    %get3A_374 = arith.index_cast %get3A_373 : i32 to index
    %get3A_375 = arith.constant 0 : index
    %get3A_376 = tpu.vector_load %arg5[%get3A_374, %get3A_375] {strides = array<i32>} : memref<64x16xf32, #tpu.memory_space<vmem>>, vector<16xf32>,
    %masked_sort3A_377 = arith.constant dense<true> : vector<16xi1>
    %masked_sort3A_378, %masked_sort3A_379, %masked_sort3A_380 = tpu.sort %get3A_376, %iota3A masked %masked_sort3A_377 {descending = true} : (vector<16xf32>, vector<16xi32>, vector<16xi1>) -> (vector<16xi1>, vector<16xf32>, vector<16xi32>)
    %swap3A_381 = arith.constant 22 : i32
    %swap3A_382 = arith.index_cast %swap3A_381 : i32 to index
    %swap3A_383 = arith.constant 0 : index
    %swap3A_384 = tpu.vector_load %arg6[%swap3A_382, %swap3A_383] {strides = array<i32>} : memref<64x16xi32, #tpu.memory_space<vmem>>, vector<16xi32>,
    tpu.vector_store %arg6[%swap3A_382, %swap3A_383], %masked_sort3A_380 {strides = array<i32>} : memref<64x16xi32, #tpu.memory_space<vmem>>, vector<16xi32>,
    %jit3A_385 = arith.constant 0.000000e+00 : f32
    %broadcast_in_dim3A_386 = vector.broadcast %jit3A_385 : f32 to vector<16xf32>
    %select_n3A_387 = arith.select %lt3A_4, %masked_sort3A_379, %broadcast_in_dim3A_386 : vector<16xi1>, vector<16xf32>
    %broadcast_in_dim3A_388 = arith.constant 22 : i32
    %broadcast_in_dim3A_389 = vector.broadcast %broadcast_in_dim3A_388 : i32 to vector<16xi32>
    tpu.vector_store_idx %arg7[%broadcast_in_dim3A_389, %masked_sort3A_380], %select_n3A_387 : memref<64x16xf32, #tpu.memory_space<vmem>>[vector<16xi32>, vector<16xi32>], vector<16xf32>,
    %get3A_390 = arith.constant 23 : i32
    %get3A_391 = arith.index_cast %get3A_390 : i32 to index
    %get3A_392 = arith.constant 0 : index
    %get3A_393 = tpu.vector_load %arg5[%get3A_391, %get3A_392] {strides = array<i32>} : memref<64x16xf32, #tpu.memory_space<vmem>>, vector<16xf32>,
    %masked_sort3A_394 = arith.constant dense<true> : vector<16xi1>
    %masked_sort3A_395, %masked_sort3A_396, %masked_sort3A_397 = tpu.sort %get3A_393, %iota3A masked %masked_sort3A_394 {descending = true} : (vector<16xf32>, vector<16xi32>, vector<16xi1>) -> (vector<16xi1>, vector<16xf32>, vector<16xi32>)
    %swap3A_398 = arith.constant 23 : i32
    %swap3A_399 = arith.index_cast %swap3A_398 : i32 to index
    %swap3A_400 = arith.constant 0 : index
    %swap3A_401 = tpu.vector_load %arg6[%swap3A_399, %swap3A_400] {strides = array<i32>} : memref<64x16xi32, #tpu.memory_space<vmem>>, vector<16xi32>,
    tpu.vector_store %arg6[%swap3A_399, %swap3A_400], %masked_sort3A_397 {strides = array<i32>} : memref<64x16xi32, #tpu.memory_space<vmem>>, vector<16xi32>,
    %jit3A_402 = arith.constant 0.000000e+00 : f32
    %broadcast_in_dim3A_403 = vector.broadcast %jit3A_402 : f32 to vector<16xf32>
    %select_n3A_404 = arith.select %lt3A_4, %masked_sort3A_396, %broadcast_in_dim3A_403 : vector<16xi1>, vector<16xf32>
    %broadcast_in_dim3A_405 = arith.constant 23 : i32
    %broadcast_in_dim3A_406 = vector.broadcast %broadcast_in_dim3A_405 : i32 to vector<16xi32>
    tpu.vector_store_idx %arg7[%broadcast_in_dim3A_406, %masked_sort3A_397], %select_n3A_404 : memref<64x16xf32, #tpu.memory_space<vmem>>[vector<16xi32>, vector<16xi32>], vector<16xf32>,
    %get3A_407 = arith.constant 24 : i32
    %get3A_408 = arith.index_cast %get3A_407 : i32 to index
    %get3A_409 = arith.constant 0 : index
    %get3A_410 = tpu.vector_load %arg5[%get3A_408, %get3A_409] {strides = array<i32>} : memref<64x16xf32, #tpu.memory_space<vmem>>, vector<16xf32>,
    %masked_sort3A_411 = arith.constant dense<true> : vector<16xi1>
    %masked_sort3A_412, %masked_sort3A_413, %masked_sort3A_414 = tpu.sort %get3A_410, %iota3A masked %masked_sort3A_411 {descending = true} : (vector<16xf32>, vector<16xi32>, vector<16xi1>) -> (vector<16xi1>, vector<16xf32>, vector<16xi32>)
    %swap3A_415 = arith.constant 24 : i32
    %swap3A_416 = arith.index_cast %swap3A_415 : i32 to index
    %swap3A_417 = arith.constant 0 : index
    %swap3A_418 = tpu.vector_load %arg6[%swap3A_416, %swap3A_417] {strides = array<i32>} : memref<64x16xi32, #tpu.memory_space<vmem>>, vector<16xi32>,
    tpu.vector_store %arg6[%swap3A_416, %swap3A_417], %masked_sort3A_414 {strides = array<i32>} : memref<64x16xi32, #tpu.memory_space<vmem>>, vector<16xi32>,
    %jit3A_419 = arith.constant 0.000000e+00 : f32
    %broadcast_in_dim3A_420 = vector.broadcast %jit3A_419 : f32 to vector<16xf32>
    %select_n3A_421 = arith.select %lt3A_4, %masked_sort3A_413, %broadcast_in_dim3A_420 : vector<16xi1>, vector<16xf32>
    %broadcast_in_dim3A_422 = arith.constant 24 : i32
    %broadcast_in_dim3A_423 = vector.broadcast %broadcast_in_dim3A_422 : i32 to vector<16xi32>
    tpu.vector_store_idx %arg7[%broadcast_in_dim3A_423, %masked_sort3A_414], %select_n3A_421 : memref<64x16xf32, #tpu.memory_space<vmem>>[vector<16xi32>, vector<16xi32>], vector<16xf32>,
    %get3A_424 = arith.constant 25 : i32
    %get3A_425 = arith.index_cast %get3A_424 : i32 to index
    %get3A_426 = arith.constant 0 : index
    %get3A_427 = tpu.vector_load %arg5[%get3A_425, %get3A_426] {strides = array<i32>} : memref<64x16xf32, #tpu.memory_space<vmem>>, vector<16xf32>,
    %masked_sort3A_428 = arith.constant dense<true> : vector<16xi1>
    %masked_sort3A_429, %masked_sort3A_430, %masked_sort3A_431 = tpu.sort %get3A_427, %iota3A masked %masked_sort3A_428 {descending = true} : (vector<16xf32>, vector<16xi32>, vector<16xi1>) -> (vector<16xi1>, vector<16xf32>, vector<16xi32>)
    %swap3A_432 = arith.constant 25 : i32
    %swap3A_433 = arith.index_cast %swap3A_432 : i32 to index
    %swap3A_434 = arith.constant 0 : index
    %swap3A_435 = tpu.vector_load %arg6[%swap3A_433, %swap3A_434] {strides = array<i32>} : memref<64x16xi32, #tpu.memory_space<vmem>>, vector<16xi32>,
    tpu.vector_store %arg6[%swap3A_433, %swap3A_434], %masked_sort3A_431 {strides = array<i32>} : memref<64x16xi32, #tpu.memory_space<vmem>>, vector<16xi32>,
    %jit3A_436 = arith.constant 0.000000e+00 : f32
    %broadcast_in_dim3A_437 = vector.broadcast %jit3A_436 : f32 to vector<16xf32>
    %select_n3A_438 = arith.select %lt3A_4, %masked_sort3A_430, %broadcast_in_dim3A_437 : vector<16xi1>, vector<16xf32>
    %broadcast_in_dim3A_439 = arith.constant 25 : i32
    %broadcast_in_dim3A_440 = vector.broadcast %broadcast_in_dim3A_439 : i32 to vector<16xi32>
    tpu.vector_store_idx %arg7[%broadcast_in_dim3A_440, %masked_sort3A_431], %select_n3A_438 : memref<64x16xf32, #tpu.memory_space<vmem>>[vector<16xi32>, vector<16xi32>], vector<16xf32>,
    %get3A_441 = arith.constant 26 : i32
    %get3A_442 = arith.index_cast %get3A_441 : i32 to index
    %get3A_443 = arith.constant 0 : index
    %get3A_444 = tpu.vector_load %arg5[%get3A_442, %get3A_443] {strides = array<i32>} : memref<64x16xf32, #tpu.memory_space<vmem>>, vector<16xf32>,
    %masked_sort3A_445 = arith.constant dense<true> : vector<16xi1>
    %masked_sort3A_446, %masked_sort3A_447, %masked_sort3A_448 = tpu.sort %get3A_444, %iota3A masked %masked_sort3A_445 {descending = true} : (vector<16xf32>, vector<16xi32>, vector<16xi1>) -> (vector<16xi1>, vector<16xf32>, vector<16xi32>)
    %swap3A_449 = arith.constant 26 : i32
    %swap3A_450 = arith.index_cast %swap3A_449 : i32 to index
    %swap3A_451 = arith.constant 0 : index
    %swap3A_452 = tpu.vector_load %arg6[%swap3A_450, %swap3A_451] {strides = array<i32>} : memref<64x16xi32, #tpu.memory_space<vmem>>, vector<16xi32>,
    tpu.vector_store %arg6[%swap3A_450, %swap3A_451], %masked_sort3A_448 {strides = array<i32>} : memref<64x16xi32, #tpu.memory_space<vmem>>, vector<16xi32>,
    %jit3A_453 = arith.constant 0.000000e+00 : f32
    %broadcast_in_dim3A_454 = vector.broadcast %jit3A_453 : f32 to vector<16xf32>
    %select_n3A_455 = arith.select %lt3A_4, %masked_sort3A_447, %broadcast_in_dim3A_454 : vector<16xi1>, vector<16xf32>
    %broadcast_in_dim3A_456 = arith.constant 26 : i32
    %broadcast_in_dim3A_457 = vector.broadcast %broadcast_in_dim3A_456 : i32 to vector<16xi32>
    tpu.vector_store_idx %arg7[%broadcast_in_dim3A_457, %masked_sort3A_448], %select_n3A_455 : memref<64x16xf32, #tpu.memory_space<vmem>>[vector<16xi32>, vector<16xi32>], vector<16xf32>,
    %get3A_458 = arith.constant 27 : i32
    %get3A_459 = arith.index_cast %get3A_458 : i32 to index
    %get3A_460 = arith.constant 0 : index
    %get3A_461 = tpu.vector_load %arg5[%get3A_459, %get3A_460] {strides = array<i32>} : memref<64x16xf32, #tpu.memory_space<vmem>>, vector<16xf32>,
    %masked_sort3A_462 = arith.constant dense<true> : vector<16xi1>
    %masked_sort3A_463, %masked_sort3A_464, %masked_sort3A_465 = tpu.sort %get3A_461, %iota3A masked %masked_sort3A_462 {descending = true} : (vector<16xf32>, vector<16xi32>, vector<16xi1>) -> (vector<16xi1>, vector<16xf32>, vector<16xi32>)
    %swap3A_466 = arith.constant 27 : i32
    %swap3A_467 = arith.index_cast %swap3A_466 : i32 to index
    %swap3A_468 = arith.constant 0 : index
    %swap3A_469 = tpu.vector_load %arg6[%swap3A_467, %swap3A_468] {strides = array<i32>} : memref<64x16xi32, #tpu.memory_space<vmem>>, vector<16xi32>,
    tpu.vector_store %arg6[%swap3A_467, %swap3A_468], %masked_sort3A_465 {strides = array<i32>} : memref<64x16xi32, #tpu.memory_space<vmem>>, vector<16xi32>,
    %jit3A_470 = arith.constant 0.000000e+00 : f32
    %broadcast_in_dim3A_471 = vector.broadcast %jit3A_470 : f32 to vector<16xf32>
    %select_n3A_472 = arith.select %lt3A_4, %masked_sort3A_464, %broadcast_in_dim3A_471 : vector<16xi1>, vector<16xf32>
    %broadcast_in_dim3A_473 = arith.constant 27 : i32
    %broadcast_in_dim3A_474 = vector.broadcast %broadcast_in_dim3A_473 : i32 to vector<16xi32>
    tpu.vector_store_idx %arg7[%broadcast_in_dim3A_474, %masked_sort3A_465], %select_n3A_472 : memref<64x16xf32, #tpu.memory_space<vmem>>[vector<16xi32>, vector<16xi32>], vector<16xf32>,
    %get3A_475 = arith.constant 28 : i32
    %get3A_476 = arith.index_cast %get3A_475 : i32 to index
    %get3A_477 = arith.constant 0 : index
    %get3A_478 = tpu.vector_load %arg5[%get3A_476, %get3A_477] {strides = array<i32>} : memref<64x16xf32, #tpu.memory_space<vmem>>, vector<16xf32>,
    %masked_sort3A_479 = arith.constant dense<true> : vector<16xi1>
    %masked_sort3A_480, %masked_sort3A_481, %masked_sort3A_482 = tpu.sort %get3A_478, %iota3A masked %masked_sort3A_479 {descending = true} : (vector<16xf32>, vector<16xi32>, vector<16xi1>) -> (vector<16xi1>, vector<16xf32>, vector<16xi32>)
    %swap3A_483 = arith.constant 28 : i32
    %swap3A_484 = arith.index_cast %swap3A_483 : i32 to index
    %swap3A_485 = arith.constant 0 : index
    %swap3A_486 = tpu.vector_load %arg6[%swap3A_484, %swap3A_485] {strides = array<i32>} : memref<64x16xi32, #tpu.memory_space<vmem>>, vector<16xi32>,
    tpu.vector_store %arg6[%swap3A_484, %swap3A_485], %masked_sort3A_482 {strides = array<i32>} : memref<64x16xi32, #tpu.memory_space<vmem>>, vector<16xi32>,
    %jit3A_487 = arith.constant 0.000000e+00 : f32
    %broadcast_in_dim3A_488 = vector.broadcast %jit3A_487 : f32 to vector<16xf32>
    %select_n3A_489 = arith.select %lt3A_4, %masked_sort3A_481, %broadcast_in_dim3A_488 : vector<16xi1>, vector<16xf32>
    %broadcast_in_dim3A_490 = arith.constant 28 : i32
    %broadcast_in_dim3A_491 = vector.broadcast %broadcast_in_dim3A_490 : i32 to vector<16xi32>
    tpu.vector_store_idx %arg7[%broadcast_in_dim3A_491, %masked_sort3A_482], %select_n3A_489 : memref<64x16xf32, #tpu.memory_space<vmem>>[vector<16xi32>, vector<16xi32>], vector<16xf32>,
    %get3A_492 = arith.constant 29 : i32
    %get3A_493 = arith.index_cast %get3A_492 : i32 to index
    %get3A_494 = arith.constant 0 : index
    %get3A_495 = tpu.vector_load %arg5[%get3A_493, %get3A_494] {strides = array<i32>} : memref<64x16xf32, #tpu.memory_space<vmem>>, vector<16xf32>,
    %masked_sort3A_496 = arith.constant dense<true> : vector<16xi1>
    %masked_sort3A_497, %masked_sort3A_498, %masked_sort3A_499 = tpu.sort %get3A_495, %iota3A masked %masked_sort3A_496 {descending = true} : (vector<16xf32>, vector<16xi32>, vector<16xi1>) -> (vector<16xi1>, vector<16xf32>, vector<16xi32>)
    %swap3A_500 = arith.constant 29 : i32
    %swap3A_501 = arith.index_cast %swap3A_500 : i32 to index
    %swap3A_502 = arith.constant 0 : index
    %swap3A_503 = tpu.vector_load %arg6[%swap3A_501, %swap3A_502] {strides = array<i32>} : memref<64x16xi32, #tpu.memory_space<vmem>>, vector<16xi32>,
    tpu.vector_store %arg6[%swap3A_501, %swap3A_502], %masked_sort3A_499 {strides = array<i32>} : memref<64x16xi32, #tpu.memory_space<vmem>>, vector<16xi32>,
    %jit3A_504 = arith.constant 0.000000e+00 : f32
    %broadcast_in_dim3A_505 = vector.broadcast %jit3A_504 : f32 to vector<16xf32>
    %select_n3A_506 = arith.select %lt3A_4, %masked_sort3A_498, %broadcast_in_dim3A_505 : vector<16xi1>, vector<16xf32>
    %broadcast_in_dim3A_507 = arith.constant 29 : i32
    %broadcast_in_dim3A_508 = vector.broadcast %broadcast_in_dim3A_507 : i32 to vector<16xi32>
    tpu.vector_store_idx %arg7[%broadcast_in_dim3A_508, %masked_sort3A_499], %select_n3A_506 : memref<64x16xf32, #tpu.memory_space<vmem>>[vector<16xi32>, vector<16xi32>], vector<16xf32>,
    %get3A_509 = arith.constant 30 : i32
    %get3A_510 = arith.index_cast %get3A_509 : i32 to index
    %get3A_511 = arith.constant 0 : index
    %get3A_512 = tpu.vector_load %arg5[%get3A_510, %get3A_511] {strides = array<i32>} : memref<64x16xf32, #tpu.memory_space<vmem>>, vector<16xf32>,
    %masked_sort3A_513 = arith.constant dense<true> : vector<16xi1>
    %masked_sort3A_514, %masked_sort3A_515, %masked_sort3A_516 = tpu.sort %get3A_512, %iota3A masked %masked_sort3A_513 {descending = true} : (vector<16xf32>, vector<16xi32>, vector<16xi1>) -> (vector<16xi1>, vector<16xf32>, vector<16xi32>)
    %swap3A_517 = arith.constant 30 : i32
    %swap3A_518 = arith.index_cast %swap3A_517 : i32 to index
    %swap3A_519 = arith.constant 0 : index
    %swap3A_520 = tpu.vector_load %arg6[%swap3A_518, %swap3A_519] {strides = array<i32>} : memref<64x16xi32, #tpu.memory_space<vmem>>, vector<16xi32>,
    tpu.vector_store %arg6[%swap3A_518, %swap3A_519], %masked_sort3A_516 {strides = array<i32>} : memref<64x16xi32, #tpu.memory_space<vmem>>, vector<16xi32>,
    %jit3A_521 = arith.constant 0.000000e+00 : f32
    %broadcast_in_dim3A_522 = vector.broadcast %jit3A_521 : f32 to vector<16xf32>
    %select_n3A_523 = arith.select %lt3A_4, %masked_sort3A_515, %broadcast_in_dim3A_522 : vector<16xi1>, vector<16xf32>
    %broadcast_in_dim3A_524 = arith.constant 30 : i32
    %broadcast_in_dim3A_525 = vector.broadcast %broadcast_in_dim3A_524 : i32 to vector<16xi32>
    tpu.vector_store_idx %arg7[%broadcast_in_dim3A_525, %masked_sort3A_516], %select_n3A_523 : memref<64x16xf32, #tpu.memory_space<vmem>>[vector<16xi32>, vector<16xi32>], vector<16xf32>,
    %get3A_526 = arith.constant 31 : i32
    %get3A_527 = arith.index_cast %get3A_526 : i32 to index
    %get3A_528 = arith.constant 0 : index
    %get3A_529 = tpu.vector_load %arg5[%get3A_527, %get3A_528] {strides = array<i32>} : memref<64x16xf32, #tpu.memory_space<vmem>>, vector<16xf32>,
    %masked_sort3A_530 = arith.constant dense<true> : vector<16xi1>
    %masked_sort3A_531, %masked_sort3A_532, %masked_sort3A_533 = tpu.sort %get3A_529, %iota3A masked %masked_sort3A_530 {descending = true} : (vector<16xf32>, vector<16xi32>, vector<16xi1>) -> (vector<16xi1>, vector<16xf32>, vector<16xi32>)
    %swap3A_534 = arith.constant 31 : i32
    %swap3A_535 = arith.index_cast %swap3A_534 : i32 to index
    %swap3A_536 = arith.constant 0 : index
    %swap3A_537 = tpu.vector_load %arg6[%swap3A_535, %swap3A_536] {strides = array<i32>} : memref<64x16xi32, #tpu.memory_space<vmem>>, vector<16xi32>,
    tpu.vector_store %arg6[%swap3A_535, %swap3A_536], %masked_sort3A_533 {strides = array<i32>} : memref<64x16xi32, #tpu.memory_space<vmem>>, vector<16xi32>,
    %jit3A_538 = arith.constant 0.000000e+00 : f32
    %broadcast_in_dim3A_539 = vector.broadcast %jit3A_538 : f32 to vector<16xf32>
    %select_n3A_540 = arith.select %lt3A_4, %masked_sort3A_532, %broadcast_in_dim3A_539 : vector<16xi1>, vector<16xf32>
    %broadcast_in_dim3A_541 = arith.constant 31 : i32
    %broadcast_in_dim3A_542 = vector.broadcast %broadcast_in_dim3A_541 : i32 to vector<16xi32>
    tpu.vector_store_idx %arg7[%broadcast_in_dim3A_542, %masked_sort3A_533], %select_n3A_540 : memref<64x16xf32, #tpu.memory_space<vmem>>[vector<16xi32>, vector<16xi32>], vector<16xf32>,
    %get3A_543 = arith.constant 32 : i32
    %get3A_544 = arith.index_cast %get3A_543 : i32 to index
    %get3A_545 = arith.constant 0 : index
    %get3A_546 = tpu.vector_load %arg5[%get3A_544, %get3A_545] {strides = array<i32>} : memref<64x16xf32, #tpu.memory_space<vmem>>, vector<16xf32>,
    %masked_sort3A_547 = arith.constant dense<true> : vector<16xi1>
    %masked_sort3A_548, %masked_sort3A_549, %masked_sort3A_550 = tpu.sort %get3A_546, %iota3A masked %masked_sort3A_547 {descending = true} : (vector<16xf32>, vector<16xi32>, vector<16xi1>) -> (vector<16xi1>, vector<16xf32>, vector<16xi32>)
    %swap3A_551 = arith.constant 32 : i32
    %swap3A_552 = arith.index_cast %swap3A_551 : i32 to index
    %swap3A_553 = arith.constant 0 : index
    %swap3A_554 = tpu.vector_load %arg6[%swap3A_552, %swap3A_553] {strides = array<i32>} : memref<64x16xi32, #tpu.memory_space<vmem>>, vector<16xi32>,
    tpu.vector_store %arg6[%swap3A_552, %swap3A_553], %masked_sort3A_550 {strides = array<i32>} : memref<64x16xi32, #tpu.memory_space<vmem>>, vector<16xi32>,
    %jit3A_555 = arith.constant 0.000000e+00 : f32
    %broadcast_in_dim3A_556 = vector.broadcast %jit3A_555 : f32 to vector<16xf32>
    %select_n3A_557 = arith.select %lt3A_4, %masked_sort3A_549, %broadcast_in_dim3A_556 : vector<16xi1>, vector<16xf32>
    %broadcast_in_dim3A_558 = arith.constant 32 : i32
    %broadcast_in_dim3A_559 = vector.broadcast %broadcast_in_dim3A_558 : i32 to vector<16xi32>
    tpu.vector_store_idx %arg7[%broadcast_in_dim3A_559, %masked_sort3A_550], %select_n3A_557 : memref<64x16xf32, #tpu.memory_space<vmem>>[vector<16xi32>, vector<16xi32>], vector<16xf32>,
    %get3A_560 = arith.constant 33 : i32
    %get3A_561 = arith.index_cast %get3A_560 : i32 to index
    %get3A_562 = arith.constant 0 : index
    %get3A_563 = tpu.vector_load %arg5[%get3A_561, %get3A_562] {strides = array<i32>} : memref<64x16xf32, #tpu.memory_space<vmem>>, vector<16xf32>,
    %masked_sort3A_564 = arith.constant dense<true> : vector<16xi1>
    %masked_sort3A_565, %masked_sort3A_566, %masked_sort3A_567 = tpu.sort %get3A_563, %iota3A masked %masked_sort3A_564 {descending = true} : (vector<16xf32>, vector<16xi32>, vector<16xi1>) -> (vector<16xi1>, vector<16xf32>, vector<16xi32>)
    %swap3A_568 = arith.constant 33 : i32
    %swap3A_569 = arith.index_cast %swap3A_568 : i32 to index
    %swap3A_570 = arith.constant 0 : index
    %swap3A_571 = tpu.vector_load %arg6[%swap3A_569, %swap3A_570] {strides = array<i32>} : memref<64x16xi32, #tpu.memory_space<vmem>>, vector<16xi32>,
    tpu.vector_store %arg6[%swap3A_569, %swap3A_570], %masked_sort3A_567 {strides = array<i32>} : memref<64x16xi32, #tpu.memory_space<vmem>>, vector<16xi32>,
    %jit3A_572 = arith.constant 0.000000e+00 : f32
    %broadcast_in_dim3A_573 = vector.broadcast %jit3A_572 : f32 to vector<16xf32>
    %select_n3A_574 = arith.select %lt3A_4, %masked_sort3A_566, %broadcast_in_dim3A_573 : vector<16xi1>, vector<16xf32>
    %broadcast_in_dim3A_575 = arith.constant 33 : i32
    %broadcast_in_dim3A_576 = vector.broadcast %broadcast_in_dim3A_575 : i32 to vector<16xi32>
    tpu.vector_store_idx %arg7[%broadcast_in_dim3A_576, %masked_sort3A_567], %select_n3A_574 : memref<64x16xf32, #tpu.memory_space<vmem>>[vector<16xi32>, vector<16xi32>], vector<16xf32>,
    %get3A_577 = arith.constant 34 : i32
    %get3A_578 = arith.index_cast %get3A_577 : i32 to index
    %get3A_579 = arith.constant 0 : index
    %get3A_580 = tpu.vector_load %arg5[%get3A_578, %get3A_579] {strides = array<i32>} : memref<64x16xf32, #tpu.memory_space<vmem>>, vector<16xf32>,
    %masked_sort3A_581 = arith.constant dense<true> : vector<16xi1>
    %masked_sort3A_582, %masked_sort3A_583, %masked_sort3A_584 = tpu.sort %get3A_580, %iota3A masked %masked_sort3A_581 {descending = true} : (vector<16xf32>, vector<16xi32>, vector<16xi1>) -> (vector<16xi1>, vector<16xf32>, vector<16xi32>)
    %swap3A_585 = arith.constant 34 : i32
    %swap3A_586 = arith.index_cast %swap3A_585 : i32 to index
    %swap3A_587 = arith.constant 0 : index
    %swap3A_588 = tpu.vector_load %arg6[%swap3A_586, %swap3A_587] {strides = array<i32>} : memref<64x16xi32, #tpu.memory_space<vmem>>, vector<16xi32>,
    tpu.vector_store %arg6[%swap3A_586, %swap3A_587], %masked_sort3A_584 {strides = array<i32>} : memref<64x16xi32, #tpu.memory_space<vmem>>, vector<16xi32>,
    %jit3A_589 = arith.constant 0.000000e+00 : f32
    %broadcast_in_dim3A_590 = vector.broadcast %jit3A_589 : f32 to vector<16xf32>
    %select_n3A_591 = arith.select %lt3A_4, %masked_sort3A_583, %broadcast_in_dim3A_590 : vector<16xi1>, vector<16xf32>
    %broadcast_in_dim3A_592 = arith.constant 34 : i32
    %broadcast_in_dim3A_593 = vector.broadcast %broadcast_in_dim3A_592 : i32 to vector<16xi32>
    tpu.vector_store_idx %arg7[%broadcast_in_dim3A_593, %masked_sort3A_584], %select_n3A_591 : memref<64x16xf32, #tpu.memory_space<vmem>>[vector<16xi32>, vector<16xi32>], vector<16xf32>,
    %get3A_594 = arith.constant 35 : i32
    %get3A_595 = arith.index_cast %get3A_594 : i32 to index
    %get3A_596 = arith.constant 0 : index
    %get3A_597 = tpu.vector_load %arg5[%get3A_595, %get3A_596] {strides = array<i32>} : memref<64x16xf32, #tpu.memory_space<vmem>>, vector<16xf32>,
    %masked_sort3A_598 = arith.constant dense<true> : vector<16xi1>
    %masked_sort3A_599, %masked_sort3A_600, %masked_sort3A_601 = tpu.sort %get3A_597, %iota3A masked %masked_sort3A_598 {descending = true} : (vector<16xf32>, vector<16xi32>, vector<16xi1>) -> (vector<16xi1>, vector<16xf32>, vector<16xi32>)
    %swap3A_602 = arith.constant 35 : i32
    %swap3A_603 = arith.index_cast %swap3A_602 : i32 to index
    %swap3A_604 = arith.constant 0 : index
    %swap3A_605 = tpu.vector_load %arg6[%swap3A_603, %swap3A_604] {strides = array<i32>} : memref<64x16xi32, #tpu.memory_space<vmem>>, vector<16xi32>,
    tpu.vector_store %arg6[%swap3A_603, %swap3A_604], %masked_sort3A_601 {strides = array<i32>} : memref<64x16xi32, #tpu.memory_space<vmem>>, vector<16xi32>,
    %jit3A_606 = arith.constant 0.000000e+00 : f32
    %broadcast_in_dim3A_607 = vector.broadcast %jit3A_606 : f32 to vector<16xf32>
    %select_n3A_608 = arith.select %lt3A_4, %masked_sort3A_600, %broadcast_in_dim3A_607 : vector<16xi1>, vector<16xf32>
    %broadcast_in_dim3A_609 = arith.constant 35 : i32
    %broadcast_in_dim3A_610 = vector.broadcast %broadcast_in_dim3A_609 : i32 to vector<16xi32>
    tpu.vector_store_idx %arg7[%broadcast_in_dim3A_610, %masked_sort3A_601], %select_n3A_608 : memref<64x16xf32, #tpu.memory_space<vmem>>[vector<16xi32>, vector<16xi32>], vector<16xf32>,
    %get3A_611 = arith.constant 36 : i32
    %get3A_612 = arith.index_cast %get3A_611 : i32 to index
    %get3A_613 = arith.constant 0 : index
    %get3A_614 = tpu.vector_load %arg5[%get3A_612, %get3A_613] {strides = array<i32>} : memref<64x16xf32, #tpu.memory_space<vmem>>, vector<16xf32>,
    %masked_sort3A_615 = arith.constant dense<true> : vector<16xi1>
    %masked_sort3A_616, %masked_sort3A_617, %masked_sort3A_618 = tpu.sort %get3A_614, %iota3A masked %masked_sort3A_615 {descending = true} : (vector<16xf32>, vector<16xi32>, vector<16xi1>) -> (vector<16xi1>, vector<16xf32>, vector<16xi32>)
    %swap3A_619 = arith.constant 36 : i32
    %swap3A_620 = arith.index_cast %swap3A_619 : i32 to index
    %swap3A_621 = arith.constant 0 : index
    %swap3A_622 = tpu.vector_load %arg6[%swap3A_620, %swap3A_621] {strides = array<i32>} : memref<64x16xi32, #tpu.memory_space<vmem>>, vector<16xi32>,
    tpu.vector_store %arg6[%swap3A_620, %swap3A_621], %masked_sort3A_618 {strides = array<i32>} : memref<64x16xi32, #tpu.memory_space<vmem>>, vector<16xi32>,
    %jit3A_623 = arith.constant 0.000000e+00 : f32
    %broadcast_in_dim3A_624 = vector.broadcast %jit3A_623 : f32 to vector<16xf32>
    %select_n3A_625 = arith.select %lt3A_4, %masked_sort3A_617, %broadcast_in_dim3A_624 : vector<16xi1>, vector<16xf32>
    %broadcast_in_dim3A_626 = arith.constant 36 : i32
    %broadcast_in_dim3A_627 = vector.broadcast %broadcast_in_dim3A_626 : i32 to vector<16xi32>
    tpu.vector_store_idx %arg7[%broadcast_in_dim3A_627, %masked_sort3A_618], %select_n3A_625 : memref<64x16xf32, #tpu.memory_space<vmem>>[vector<16xi32>, vector<16xi32>], vector<16xf32>,
    %get3A_628 = arith.constant 37 : i32
    %get3A_629 = arith.index_cast %get3A_628 : i32 to index
    %get3A_630 = arith.constant 0 : index
    %get3A_631 = tpu.vector_load %arg5[%get3A_629, %get3A_630] {strides = array<i32>} : memref<64x16xf32, #tpu.memory_space<vmem>>, vector<16xf32>,
    %masked_sort3A_632 = arith.constant dense<true> : vector<16xi1>
    %masked_sort3A_633, %masked_sort3A_634, %masked_sort3A_635 = tpu.sort %get3A_631, %iota3A masked %masked_sort3A_632 {descending = true} : (vector<16xf32>, vector<16xi32>, vector<16xi1>) -> (vector<16xi1>, vector<16xf32>, vector<16xi32>)
    %swap3A_636 = arith.constant 37 : i32
    %swap3A_637 = arith.index_cast %swap3A_636 : i32 to index
    %swap3A_638 = arith.constant 0 : index
    %swap3A_639 = tpu.vector_load %arg6[%swap3A_637, %swap3A_638] {strides = array<i32>} : memref<64x16xi32, #tpu.memory_space<vmem>>, vector<16xi32>,
    tpu.vector_store %arg6[%swap3A_637, %swap3A_638], %masked_sort3A_635 {strides = array<i32>} : memref<64x16xi32, #tpu.memory_space<vmem>>, vector<16xi32>,
    %jit3A_640 = arith.constant 0.000000e+00 : f32
    %broadcast_in_dim3A_641 = vector.broadcast %jit3A_640 : f32 to vector<16xf32>
    %select_n3A_642 = arith.select %lt3A_4, %masked_sort3A_634, %broadcast_in_dim3A_641 : vector<16xi1>, vector<16xf32>
    %broadcast_in_dim3A_643 = arith.constant 37 : i32
    %broadcast_in_dim3A_644 = vector.broadcast %broadcast_in_dim3A_643 : i32 to vector<16xi32>
    tpu.vector_store_idx %arg7[%broadcast_in_dim3A_644, %masked_sort3A_635], %select_n3A_642 : memref<64x16xf32, #tpu.memory_space<vmem>>[vector<16xi32>, vector<16xi32>], vector<16xf32>,
    %get3A_645 = arith.constant 38 : i32
    %get3A_646 = arith.index_cast %get3A_645 : i32 to index
    %get3A_647 = arith.constant 0 : index
    %get3A_648 = tpu.vector_load %arg5[%get3A_646, %get3A_647] {strides = array<i32>} : memref<64x16xf32, #tpu.memory_space<vmem>>, vector<16xf32>,
    %masked_sort3A_649 = arith.constant dense<true> : vector<16xi1>
    %masked_sort3A_650, %masked_sort3A_651, %masked_sort3A_652 = tpu.sort %get3A_648, %iota3A masked %masked_sort3A_649 {descending = true} : (vector<16xf32>, vector<16xi32>, vector<16xi1>) -> (vector<16xi1>, vector<16xf32>, vector<16xi32>)
    %swap3A_653 = arith.constant 38 : i32
    %swap3A_654 = arith.index_cast %swap3A_653 : i32 to index
    %swap3A_655 = arith.constant 0 : index
    %swap3A_656 = tpu.vector_load %arg6[%swap3A_654, %swap3A_655] {strides = array<i32>} : memref<64x16xi32, #tpu.memory_space<vmem>>, vector<16xi32>,
    tpu.vector_store %arg6[%swap3A_654, %swap3A_655], %masked_sort3A_652 {strides = array<i32>} : memref<64x16xi32, #tpu.memory_space<vmem>>, vector<16xi32>,
    %jit3A_657 = arith.constant 0.000000e+00 : f32
    %broadcast_in_dim3A_658 = vector.broadcast %jit3A_657 : f32 to vector<16xf32>
    %select_n3A_659 = arith.select %lt3A_4, %masked_sort3A_651, %broadcast_in_dim3A_658 : vector<16xi1>, vector<16xf32>
    %broadcast_in_dim3A_660 = arith.constant 38 : i32
    %broadcast_in_dim3A_661 = vector.broadcast %broadcast_in_dim3A_660 : i32 to vector<16xi32>
    tpu.vector_store_idx %arg7[%broadcast_in_dim3A_661, %masked_sort3A_652], %select_n3A_659 : memref<64x16xf32, #tpu.memory_space<vmem>>[vector<16xi32>, vector<16xi32>], vector<16xf32>,
    %get3A_662 = arith.constant 39 : i32
    %get3A_663 = arith.index_cast %get3A_662 : i32 to index
    %get3A_664 = arith.constant 0 : index
    %get3A_665 = tpu.vector_load %arg5[%get3A_663, %get3A_664] {strides = array<i32>} : memref<64x16xf32, #tpu.memory_space<vmem>>, vector<16xf32>,
    %masked_sort3A_666 = arith.constant dense<true> : vector<16xi1>
    %masked_sort3A_667, %masked_sort3A_668, %masked_sort3A_669 = tpu.sort %get3A_665, %iota3A masked %masked_sort3A_666 {descending = true} : (vector<16xf32>, vector<16xi32>, vector<16xi1>) -> (vector<16xi1>, vector<16xf32>, vector<16xi32>)
    %swap3A_670 = arith.constant 39 : i32
    %swap3A_671 = arith.index_cast %swap3A_670 : i32 to index
    %swap3A_672 = arith.constant 0 : index
    %swap3A_673 = tpu.vector_load %arg6[%swap3A_671, %swap3A_672] {strides = array<i32>} : memref<64x16xi32, #tpu.memory_space<vmem>>, vector<16xi32>,
    tpu.vector_store %arg6[%swap3A_671, %swap3A_672], %masked_sort3A_669 {strides = array<i32>} : memref<64x16xi32, #tpu.memory_space<vmem>>, vector<16xi32>,
    %jit3A_674 = arith.constant 0.000000e+00 : f32
    %broadcast_in_dim3A_675 = vector.broadcast %jit3A_674 : f32 to vector<16xf32>
    %select_n3A_676 = arith.select %lt3A_4, %masked_sort3A_668, %broadcast_in_dim3A_675 : vector<16xi1>, vector<16xf32>
    %broadcast_in_dim3A_677 = arith.constant 39 : i32
    %broadcast_in_dim3A_678 = vector.broadcast %broadcast_in_dim3A_677 : i32 to vector<16xi32>
    tpu.vector_store_idx %arg7[%broadcast_in_dim3A_678, %masked_sort3A_669], %select_n3A_676 : memref<64x16xf32, #tpu.memory_space<vmem>>[vector<16xi32>, vector<16xi32>], vector<16xf32>,
    %get3A_679 = arith.constant 40 : i32
    %get3A_680 = arith.index_cast %get3A_679 : i32 to index
    %get3A_681 = arith.constant 0 : index
    %get3A_682 = tpu.vector_load %arg5[%get3A_680, %get3A_681] {strides = array<i32>} : memref<64x16xf32, #tpu.memory_space<vmem>>, vector<16xf32>,
    %masked_sort3A_683 = arith.constant dense<true> : vector<16xi1>
    %masked_sort3A_684, %masked_sort3A_685, %masked_sort3A_686 = tpu.sort %get3A_682, %iota3A masked %masked_sort3A_683 {descending = true} : (vector<16xf32>, vector<16xi32>, vector<16xi1>) -> (vector<16xi1>, vector<16xf32>, vector<16xi32>)
    %swap3A_687 = arith.constant 40 : i32
    %swap3A_688 = arith.index_cast %swap3A_687 : i32 to index
    %swap3A_689 = arith.constant 0 : index
    %swap3A_690 = tpu.vector_load %arg6[%swap3A_688, %swap3A_689] {strides = array<i32>} : memref<64x16xi32, #tpu.memory_space<vmem>>, vector<16xi32>,
    tpu.vector_store %arg6[%swap3A_688, %swap3A_689], %masked_sort3A_686 {strides = array<i32>} : memref<64x16xi32, #tpu.memory_space<vmem>>, vector<16xi32>,
    %jit3A_691 = arith.constant 0.000000e+00 : f32
    %broadcast_in_dim3A_692 = vector.broadcast %jit3A_691 : f32 to vector<16xf32>
    %select_n3A_693 = arith.select %lt3A_4, %masked_sort3A_685, %broadcast_in_dim3A_692 : vector<16xi1>, vector<16xf32>
    %broadcast_in_dim3A_694 = arith.constant 40 : i32
    %broadcast_in_dim3A_695 = vector.broadcast %broadcast_in_dim3A_694 : i32 to vector<16xi32>
    tpu.vector_store_idx %arg7[%broadcast_in_dim3A_695, %masked_sort3A_686], %select_n3A_693 : memref<64x16xf32, #tpu.memory_space<vmem>>[vector<16xi32>, vector<16xi32>], vector<16xf32>,
    %get3A_696 = arith.constant 41 : i32
    %get3A_697 = arith.index_cast %get3A_696 : i32 to index
    %get3A_698 = arith.constant 0 : index
    %get3A_699 = tpu.vector_load %arg5[%get3A_697, %get3A_698] {strides = array<i32>} : memref<64x16xf32, #tpu.memory_space<vmem>>, vector<16xf32>,
    %masked_sort3A_700 = arith.constant dense<true> : vector<16xi1>
    %masked_sort3A_701, %masked_sort3A_702, %masked_sort3A_703 = tpu.sort %get3A_699, %iota3A masked %masked_sort3A_700 {descending = true} : (vector<16xf32>, vector<16xi32>, vector<16xi1>) -> (vector<16xi1>, vector<16xf32>, vector<16xi32>)
    %swap3A_704 = arith.constant 41 : i32
    %swap3A_705 = arith.index_cast %swap3A_704 : i32 to index
    %swap3A_706 = arith.constant 0 : index
    %swap3A_707 = tpu.vector_load %arg6[%swap3A_705, %swap3A_706] {strides = array<i32>} : memref<64x16xi32, #tpu.memory_space<vmem>>, vector<16xi32>,
    tpu.vector_store %arg6[%swap3A_705, %swap3A_706], %masked_sort3A_703 {strides = array<i32>} : memref<64x16xi32, #tpu.memory_space<vmem>>, vector<16xi32>,
    %jit3A_708 = arith.constant 0.000000e+00 : f32
    %broadcast_in_dim3A_709 = vector.broadcast %jit3A_708 : f32 to vector<16xf32>
    %select_n3A_710 = arith.select %lt3A_4, %masked_sort3A_702, %broadcast_in_dim3A_709 : vector<16xi1>, vector<16xf32>
    %broadcast_in_dim3A_711 = arith.constant 41 : i32
    %broadcast_in_dim3A_712 = vector.broadcast %broadcast_in_dim3A_711 : i32 to vector<16xi32>
    tpu.vector_store_idx %arg7[%broadcast_in_dim3A_712, %masked_sort3A_703], %select_n3A_710 : memref<64x16xf32, #tpu.memory_space<vmem>>[vector<16xi32>, vector<16xi32>], vector<16xf32>,
    %get3A_713 = arith.constant 42 : i32
    %get3A_714 = arith.index_cast %get3A_713 : i32 to index
    %get3A_715 = arith.constant 0 : index
    %get3A_716 = tpu.vector_load %arg5[%get3A_714, %get3A_715] {strides = array<i32>} : memref<64x16xf32, #tpu.memory_space<vmem>>, vector<16xf32>,
    %masked_sort3A_717 = arith.constant dense<true> : vector<16xi1>
    %masked_sort3A_718, %masked_sort3A_719, %masked_sort3A_720 = tpu.sort %get3A_716, %iota3A masked %masked_sort3A_717 {descending = true} : (vector<16xf32>, vector<16xi32>, vector<16xi1>) -> (vector<16xi1>, vector<16xf32>, vector<16xi32>)
    %swap3A_721 = arith.constant 42 : i32
    %swap3A_722 = arith.index_cast %swap3A_721 : i32 to index
    %swap3A_723 = arith.constant 0 : index
    %swap3A_724 = tpu.vector_load %arg6[%swap3A_722, %swap3A_723] {strides = array<i32>} : memref<64x16xi32, #tpu.memory_space<vmem>>, vector<16xi32>,
    tpu.vector_store %arg6[%swap3A_722, %swap3A_723], %masked_sort3A_720 {strides = array<i32>} : memref<64x16xi32, #tpu.memory_space<vmem>>, vector<16xi32>,
    %jit3A_725 = arith.constant 0.000000e+00 : f32
    %broadcast_in_dim3A_726 = vector.broadcast %jit3A_725 : f32 to vector<16xf32>
    %select_n3A_727 = arith.select %lt3A_4, %masked_sort3A_719, %broadcast_in_dim3A_726 : vector<16xi1>, vector<16xf32>
    %broadcast_in_dim3A_728 = arith.constant 42 : i32
    %broadcast_in_dim3A_729 = vector.broadcast %broadcast_in_dim3A_728 : i32 to vector<16xi32>
    tpu.vector_store_idx %arg7[%broadcast_in_dim3A_729, %masked_sort3A_720], %select_n3A_727 : memref<64x16xf32, #tpu.memory_space<vmem>>[vector<16xi32>, vector<16xi32>], vector<16xf32>,
    %get3A_730 = arith.constant 43 : i32
    %get3A_731 = arith.index_cast %get3A_730 : i32 to index
    %get3A_732 = arith.constant 0 : index
    %get3A_733 = tpu.vector_load %arg5[%get3A_731, %get3A_732] {strides = array<i32>} : memref<64x16xf32, #tpu.memory_space<vmem>>, vector<16xf32>,
    %masked_sort3A_734 = arith.constant dense<true> : vector<16xi1>
    %masked_sort3A_735, %masked_sort3A_736, %masked_sort3A_737 = tpu.sort %get3A_733, %iota3A masked %masked_sort3A_734 {descending = true} : (vector<16xf32>, vector<16xi32>, vector<16xi1>) -> (vector<16xi1>, vector<16xf32>, vector<16xi32>)
    %swap3A_738 = arith.constant 43 : i32
    %swap3A_739 = arith.index_cast %swap3A_738 : i32 to index
    %swap3A_740 = arith.constant 0 : index
    %swap3A_741 = tpu.vector_load %arg6[%swap3A_739, %swap3A_740] {strides = array<i32>} : memref<64x16xi32, #tpu.memory_space<vmem>>, vector<16xi32>,
    tpu.vector_store %arg6[%swap3A_739, %swap3A_740], %masked_sort3A_737 {strides = array<i32>} : memref<64x16xi32, #tpu.memory_space<vmem>>, vector<16xi32>,
    %jit3A_742 = arith.constant 0.000000e+00 : f32
    %broadcast_in_dim3A_743 = vector.broadcast %jit3A_742 : f32 to vector<16xf32>
    %select_n3A_744 = arith.select %lt3A_4, %masked_sort3A_736, %broadcast_in_dim3A_743 : vector<16xi1>, vector<16xf32>
    %broadcast_in_dim3A_745 = arith.constant 43 : i32
    %broadcast_in_dim3A_746 = vector.broadcast %broadcast_in_dim3A_745 : i32 to vector<16xi32>
    tpu.vector_store_idx %arg7[%broadcast_in_dim3A_746, %masked_sort3A_737], %select_n3A_744 : memref<64x16xf32, #tpu.memory_space<vmem>>[vector<16xi32>, vector<16xi32>], vector<16xf32>,
    %get3A_747 = arith.constant 44 : i32
    %get3A_748 = arith.index_cast %get3A_747 : i32 to index
    %get3A_749 = arith.constant 0 : index
    %get3A_750 = tpu.vector_load %arg5[%get3A_748, %get3A_749] {strides = array<i32>} : memref<64x16xf32, #tpu.memory_space<vmem>>, vector<16xf32>,
    %masked_sort3A_751 = arith.constant dense<true> : vector<16xi1>
    %masked_sort3A_752, %masked_sort3A_753, %masked_sort3A_754 = tpu.sort %get3A_750, %iota3A masked %masked_sort3A_751 {descending = true} : (vector<16xf32>, vector<16xi32>, vector<16xi1>) -> (vector<16xi1>, vector<16xf32>, vector<16xi32>)
    %swap3A_755 = arith.constant 44 : i32
    %swap3A_756 = arith.index_cast %swap3A_755 : i32 to index
    %swap3A_757 = arith.constant 0 : index
    %swap3A_758 = tpu.vector_load %arg6[%swap3A_756, %swap3A_757] {strides = array<i32>} : memref<64x16xi32, #tpu.memory_space<vmem>>, vector<16xi32>,
    tpu.vector_store %arg6[%swap3A_756, %swap3A_757], %masked_sort3A_754 {strides = array<i32>} : memref<64x16xi32, #tpu.memory_space<vmem>>, vector<16xi32>,
    %jit3A_759 = arith.constant 0.000000e+00 : f32
    %broadcast_in_dim3A_760 = vector.broadcast %jit3A_759 : f32 to vector<16xf32>
    %select_n3A_761 = arith.select %lt3A_4, %masked_sort3A_753, %broadcast_in_dim3A_760 : vector<16xi1>, vector<16xf32>
    %broadcast_in_dim3A_762 = arith.constant 44 : i32
    %broadcast_in_dim3A_763 = vector.broadcast %broadcast_in_dim3A_762 : i32 to vector<16xi32>
    tpu.vector_store_idx %arg7[%broadcast_in_dim3A_763, %masked_sort3A_754], %select_n3A_761 : memref<64x16xf32, #tpu.memory_space<vmem>>[vector<16xi32>, vector<16xi32>], vector<16xf32>,
    %get3A_764 = arith.constant 45 : i32
    %get3A_765 = arith.index_cast %get3A_764 : i32 to index
    %get3A_766 = arith.constant 0 : index
    %get3A_767 = tpu.vector_load %arg5[%get3A_765, %get3A_766] {strides = array<i32>} : memref<64x16xf32, #tpu.memory_space<vmem>>, vector<16xf32>,
    %masked_sort3A_768 = arith.constant dense<true> : vector<16xi1>
    %masked_sort3A_769, %masked_sort3A_770, %masked_sort3A_771 = tpu.sort %get3A_767, %iota3A masked %masked_sort3A_768 {descending = true} : (vector<16xf32>, vector<16xi32>, vector<16xi1>) -> (vector<16xi1>, vector<16xf32>, vector<16xi32>)
    %swap3A_772 = arith.constant 45 : i32
    %swap3A_773 = arith.index_cast %swap3A_772 : i32 to index
    %swap3A_774 = arith.constant 0 : index
    %swap3A_775 = tpu.vector_load %arg6[%swap3A_773, %swap3A_774] {strides = array<i32>} : memref<64x16xi32, #tpu.memory_space<vmem>>, vector<16xi32>,
    tpu.vector_store %arg6[%swap3A_773, %swap3A_774], %masked_sort3A_771 {strides = array<i32>} : memref<64x16xi32, #tpu.memory_space<vmem>>, vector<16xi32>,
    %jit3A_776 = arith.constant 0.000000e+00 : f32
    %broadcast_in_dim3A_777 = vector.broadcast %jit3A_776 : f32 to vector<16xf32>
    %select_n3A_778 = arith.select %lt3A_4, %masked_sort3A_770, %broadcast_in_dim3A_777 : vector<16xi1>, vector<16xf32>
    %broadcast_in_dim3A_779 = arith.constant 45 : i32
    %broadcast_in_dim3A_780 = vector.broadcast %broadcast_in_dim3A_779 : i32 to vector<16xi32>
    tpu.vector_store_idx %arg7[%broadcast_in_dim3A_780, %masked_sort3A_771], %select_n3A_778 : memref<64x16xf32, #tpu.memory_space<vmem>>[vector<16xi32>, vector<16xi32>], vector<16xf32>,
    %get3A_781 = arith.constant 46 : i32
    %get3A_782 = arith.index_cast %get3A_781 : i32 to index
    %get3A_783 = arith.constant 0 : index
    %get3A_784 = tpu.vector_load %arg5[%get3A_782, %get3A_783] {strides = array<i32>} : memref<64x16xf32, #tpu.memory_space<vmem>>, vector<16xf32>,
    %masked_sort3A_785 = arith.constant dense<true> : vector<16xi1>
    %masked_sort3A_786, %masked_sort3A_787, %masked_sort3A_788 = tpu.sort %get3A_784, %iota3A masked %masked_sort3A_785 {descending = true} : (vector<16xf32>, vector<16xi32>, vector<16xi1>) -> (vector<16xi1>, vector<16xf32>, vector<16xi32>)
    %swap3A_789 = arith.constant 46 : i32
    %swap3A_790 = arith.index_cast %swap3A_789 : i32 to index
    %swap3A_791 = arith.constant 0 : index
    %swap3A_792 = tpu.vector_load %arg6[%swap3A_790, %swap3A_791] {strides = array<i32>} : memref<64x16xi32, #tpu.memory_space<vmem>>, vector<16xi32>,
    tpu.vector_store %arg6[%swap3A_790, %swap3A_791], %masked_sort3A_788 {strides = array<i32>} : memref<64x16xi32, #tpu.memory_space<vmem>>, vector<16xi32>,
    %jit3A_793 = arith.constant 0.000000e+00 : f32
    %broadcast_in_dim3A_794 = vector.broadcast %jit3A_793 : f32 to vector<16xf32>
    %select_n3A_795 = arith.select %lt3A_4, %masked_sort3A_787, %broadcast_in_dim3A_794 : vector<16xi1>, vector<16xf32>
    %broadcast_in_dim3A_796 = arith.constant 46 : i32
    %broadcast_in_dim3A_797 = vector.broadcast %broadcast_in_dim3A_796 : i32 to vector<16xi32>
    tpu.vector_store_idx %arg7[%broadcast_in_dim3A_797, %masked_sort3A_788], %select_n3A_795 : memref<64x16xf32, #tpu.memory_space<vmem>>[vector<16xi32>, vector<16xi32>], vector<16xf32>,
    %get3A_798 = arith.constant 47 : i32
    %get3A_799 = arith.index_cast %get3A_798 : i32 to index
    %get3A_800 = arith.constant 0 : index
    %get3A_801 = tpu.vector_load %arg5[%get3A_799, %get3A_800] {strides = array<i32>} : memref<64x16xf32, #tpu.memory_space<vmem>>, vector<16xf32>,
    %masked_sort3A_802 = arith.constant dense<true> : vector<16xi1>
    %masked_sort3A_803, %masked_sort3A_804, %masked_sort3A_805 = tpu.sort %get3A_801, %iota3A masked %masked_sort3A_802 {descending = true} : (vector<16xf32>, vector<16xi32>, vector<16xi1>) -> (vector<16xi1>, vector<16xf32>, vector<16xi32>)
    %swap3A_806 = arith.constant 47 : i32
    %swap3A_807 = arith.index_cast %swap3A_806 : i32 to index
    %swap3A_808 = arith.constant 0 : index
    %swap3A_809 = tpu.vector_load %arg6[%swap3A_807, %swap3A_808] {strides = array<i32>} : memref<64x16xi32, #tpu.memory_space<vmem>>, vector<16xi32>,
    tpu.vector_store %arg6[%swap3A_807, %swap3A_808], %masked_sort3A_805 {strides = array<i32>} : memref<64x16xi32, #tpu.memory_space<vmem>>, vector<16xi32>,
    %jit3A_810 = arith.constant 0.000000e+00 : f32
    %broadcast_in_dim3A_811 = vector.broadcast %jit3A_810 : f32 to vector<16xf32>
    %select_n3A_812 = arith.select %lt3A_4, %masked_sort3A_804, %broadcast_in_dim3A_811 : vector<16xi1>, vector<16xf32>
    %broadcast_in_dim3A_813 = arith.constant 47 : i32
    %broadcast_in_dim3A_814 = vector.broadcast %broadcast_in_dim3A_813 : i32 to vector<16xi32>
    tpu.vector_store_idx %arg7[%broadcast_in_dim3A_814, %masked_sort3A_805], %select_n3A_812 : memref<64x16xf32, #tpu.memory_space<vmem>>[vector<16xi32>, vector<16xi32>], vector<16xf32>,
    %get3A_815 = arith.constant 48 : i32
    %get3A_816 = arith.index_cast %get3A_815 : i32 to index
    %get3A_817 = arith.constant 0 : index
    %get3A_818 = tpu.vector_load %arg5[%get3A_816, %get3A_817] {strides = array<i32>} : memref<64x16xf32, #tpu.memory_space<vmem>>, vector<16xf32>,
    %masked_sort3A_819 = arith.constant dense<true> : vector<16xi1>
    %masked_sort3A_820, %masked_sort3A_821, %masked_sort3A_822 = tpu.sort %get3A_818, %iota3A masked %masked_sort3A_819 {descending = true} : (vector<16xf32>, vector<16xi32>, vector<16xi1>) -> (vector<16xi1>, vector<16xf32>, vector<16xi32>)
    %swap3A_823 = arith.constant 48 : i32
    %swap3A_824 = arith.index_cast %swap3A_823 : i32 to index
    %swap3A_825 = arith.constant 0 : index
    %swap3A_826 = tpu.vector_load %arg6[%swap3A_824, %swap3A_825] {strides = array<i32>} : memref<64x16xi32, #tpu.memory_space<vmem>>, vector<16xi32>,
    tpu.vector_store %arg6[%swap3A_824, %swap3A_825], %masked_sort3A_822 {strides = array<i32>} : memref<64x16xi32, #tpu.memory_space<vmem>>, vector<16xi32>,
    %jit3A_827 = arith.constant 0.000000e+00 : f32
    %broadcast_in_dim3A_828 = vector.broadcast %jit3A_827 : f32 to vector<16xf32>
    %select_n3A_829 = arith.select %lt3A_4, %masked_sort3A_821, %broadcast_in_dim3A_828 : vector<16xi1>, vector<16xf32>
    %broadcast_in_dim3A_830 = arith.constant 48 : i32
    %broadcast_in_dim3A_831 = vector.broadcast %broadcast_in_dim3A_830 : i32 to vector<16xi32>
    tpu.vector_store_idx %arg7[%broadcast_in_dim3A_831, %masked_sort3A_822], %select_n3A_829 : memref<64x16xf32, #tpu.memory_space<vmem>>[vector<16xi32>, vector<16xi32>], vector<16xf32>,
    %get3A_832 = arith.constant 49 : i32
    %get3A_833 = arith.index_cast %get3A_832 : i32 to index
    %get3A_834 = arith.constant 0 : index
    %get3A_835 = tpu.vector_load %arg5[%get3A_833, %get3A_834] {strides = array<i32>} : memref<64x16xf32, #tpu.memory_space<vmem>>, vector<16xf32>,
    %masked_sort3A_836 = arith.constant dense<true> : vector<16xi1>
    %masked_sort3A_837, %masked_sort3A_838, %masked_sort3A_839 = tpu.sort %get3A_835, %iota3A masked %masked_sort3A_836 {descending = true} : (vector<16xf32>, vector<16xi32>, vector<16xi1>) -> (vector<16xi1>, vector<16xf32>, vector<16xi32>)
    %swap3A_840 = arith.constant 49 : i32
    %swap3A_841 = arith.index_cast %swap3A_840 : i32 to index
    %swap3A_842 = arith.constant 0 : index
    %swap3A_843 = tpu.vector_load %arg6[%swap3A_841, %swap3A_842] {strides = array<i32>} : memref<64x16xi32, #tpu.memory_space<vmem>>, vector<16xi32>,
    tpu.vector_store %arg6[%swap3A_841, %swap3A_842], %masked_sort3A_839 {strides = array<i32>} : memref<64x16xi32, #tpu.memory_space<vmem>>, vector<16xi32>,
    %jit3A_844 = arith.constant 0.000000e+00 : f32
    %broadcast_in_dim3A_845 = vector.broadcast %jit3A_844 : f32 to vector<16xf32>
    %select_n3A_846 = arith.select %lt3A_4, %masked_sort3A_838, %broadcast_in_dim3A_845 : vector<16xi1>, vector<16xf32>
    %broadcast_in_dim3A_847 = arith.constant 49 : i32
    %broadcast_in_dim3A_848 = vector.broadcast %broadcast_in_dim3A_847 : i32 to vector<16xi32>
    tpu.vector_store_idx %arg7[%broadcast_in_dim3A_848, %masked_sort3A_839], %select_n3A_846 : memref<64x16xf32, #tpu.memory_space<vmem>>[vector<16xi32>, vector<16xi32>], vector<16xf32>,
    %get3A_849 = arith.constant 50 : i32
    %get3A_850 = arith.index_cast %get3A_849 : i32 to index
    %get3A_851 = arith.constant 0 : index
    %get3A_852 = tpu.vector_load %arg5[%get3A_850, %get3A_851] {strides = array<i32>} : memref<64x16xf32, #tpu.memory_space<vmem>>, vector<16xf32>,
    %masked_sort3A_853 = arith.constant dense<true> : vector<16xi1>
    %masked_sort3A_854, %masked_sort3A_855, %masked_sort3A_856 = tpu.sort %get3A_852, %iota3A masked %masked_sort3A_853 {descending = true} : (vector<16xf32>, vector<16xi32>, vector<16xi1>) -> (vector<16xi1>, vector<16xf32>, vector<16xi32>)
    %swap3A_857 = arith.constant 50 : i32
    %swap3A_858 = arith.index_cast %swap3A_857 : i32 to index
    %swap3A_859 = arith.constant 0 : index
    %swap3A_860 = tpu.vector_load %arg6[%swap3A_858, %swap3A_859] {strides = array<i32>} : memref<64x16xi32, #tpu.memory_space<vmem>>, vector<16xi32>,
    tpu.vector_store %arg6[%swap3A_858, %swap3A_859], %masked_sort3A_856 {strides = array<i32>} : memref<64x16xi32, #tpu.memory_space<vmem>>, vector<16xi32>,
    %jit3A_861 = arith.constant 0.000000e+00 : f32
    %broadcast_in_dim3A_862 = vector.broadcast %jit3A_861 : f32 to vector<16xf32>
    %select_n3A_863 = arith.select %lt3A_4, %masked_sort3A_855, %broadcast_in_dim3A_862 : vector<16xi1>, vector<16xf32>
    %broadcast_in_dim3A_864 = arith.constant 50 : i32
    %broadcast_in_dim3A_865 = vector.broadcast %broadcast_in_dim3A_864 : i32 to vector<16xi32>
    tpu.vector_store_idx %arg7[%broadcast_in_dim3A_865, %masked_sort3A_856], %select_n3A_863 : memref<64x16xf32, #tpu.memory_space<vmem>>[vector<16xi32>, vector<16xi32>], vector<16xf32>,
    %get3A_866 = arith.constant 51 : i32
    %get3A_867 = arith.index_cast %get3A_866 : i32 to index
    %get3A_868 = arith.constant 0 : index
    %get3A_869 = tpu.vector_load %arg5[%get3A_867, %get3A_868] {strides = array<i32>} : memref<64x16xf32, #tpu.memory_space<vmem>>, vector<16xf32>,
    %masked_sort3A_870 = arith.constant dense<true> : vector<16xi1>
    %masked_sort3A_871, %masked_sort3A_872, %masked_sort3A_873 = tpu.sort %get3A_869, %iota3A masked %masked_sort3A_870 {descending = true} : (vector<16xf32>, vector<16xi32>, vector<16xi1>) -> (vector<16xi1>, vector<16xf32>, vector<16xi32>)
    %swap3A_874 = arith.constant 51 : i32
    %swap3A_875 = arith.index_cast %swap3A_874 : i32 to index
    %swap3A_876 = arith.constant 0 : index
    %swap3A_877 = tpu.vector_load %arg6[%swap3A_875, %swap3A_876] {strides = array<i32>} : memref<64x16xi32, #tpu.memory_space<vmem>>, vector<16xi32>,
    tpu.vector_store %arg6[%swap3A_875, %swap3A_876], %masked_sort3A_873 {strides = array<i32>} : memref<64x16xi32, #tpu.memory_space<vmem>>, vector<16xi32>,
    %jit3A_878 = arith.constant 0.000000e+00 : f32
    %broadcast_in_dim3A_879 = vector.broadcast %jit3A_878 : f32 to vector<16xf32>
    %select_n3A_880 = arith.select %lt3A_4, %masked_sort3A_872, %broadcast_in_dim3A_879 : vector<16xi1>, vector<16xf32>
    %broadcast_in_dim3A_881 = arith.constant 51 : i32
    %broadcast_in_dim3A_882 = vector.broadcast %broadcast_in_dim3A_881 : i32 to vector<16xi32>
    tpu.vector_store_idx %arg7[%broadcast_in_dim3A_882, %masked_sort3A_873], %select_n3A_880 : memref<64x16xf32, #tpu.memory_space<vmem>>[vector<16xi32>, vector<16xi32>], vector<16xf32>,
    %get3A_883 = arith.constant 52 : i32
    %get3A_884 = arith.index_cast %get3A_883 : i32 to index
    %get3A_885 = arith.constant 0 : index
    %get3A_886 = tpu.vector_load %arg5[%get3A_884, %get3A_885] {strides = array<i32>} : memref<64x16xf32, #tpu.memory_space<vmem>>, vector<16xf32>,
    %masked_sort3A_887 = arith.constant dense<true> : vector<16xi1>
    %masked_sort3A_888, %masked_sort3A_889, %masked_sort3A_890 = tpu.sort %get3A_886, %iota3A masked %masked_sort3A_887 {descending = true} : (vector<16xf32>, vector<16xi32>, vector<16xi1>) -> (vector<16xi1>, vector<16xf32>, vector<16xi32>)
    %swap3A_891 = arith.constant 52 : i32
    %swap3A_892 = arith.index_cast %swap3A_891 : i32 to index
    %swap3A_893 = arith.constant 0 : index
    %swap3A_894 = tpu.vector_load %arg6[%swap3A_892, %swap3A_893] {strides = array<i32>} : memref<64x16xi32, #tpu.memory_space<vmem>>, vector<16xi32>,
    tpu.vector_store %arg6[%swap3A_892, %swap3A_893], %masked_sort3A_890 {strides = array<i32>} : memref<64x16xi32, #tpu.memory_space<vmem>>, vector<16xi32>,
    %jit3A_895 = arith.constant 0.000000e+00 : f32
    %broadcast_in_dim3A_896 = vector.broadcast %jit3A_895 : f32 to vector<16xf32>
    %select_n3A_897 = arith.select %lt3A_4, %masked_sort3A_889, %broadcast_in_dim3A_896 : vector<16xi1>, vector<16xf32>
    %broadcast_in_dim3A_898 = arith.constant 52 : i32
    %broadcast_in_dim3A_899 = vector.broadcast %broadcast_in_dim3A_898 : i32 to vector<16xi32>
    tpu.vector_store_idx %arg7[%broadcast_in_dim3A_899, %masked_sort3A_890], %select_n3A_897 : memref<64x16xf32, #tpu.memory_space<vmem>>[vector<16xi32>, vector<16xi32>], vector<16xf32>,
    %get3A_900 = arith.constant 53 : i32
    %get3A_901 = arith.index_cast %get3A_900 : i32 to index
    %get3A_902 = arith.constant 0 : index
    %get3A_903 = tpu.vector_load %arg5[%get3A_901, %get3A_902] {strides = array<i32>} : memref<64x16xf32, #tpu.memory_space<vmem>>, vector<16xf32>,
    %masked_sort3A_904 = arith.constant dense<true> : vector<16xi1>
    %masked_sort3A_905, %masked_sort3A_906, %masked_sort3A_907 = tpu.sort %get3A_903, %iota3A masked %masked_sort3A_904 {descending = true} : (vector<16xf32>, vector<16xi32>, vector<16xi1>) -> (vector<16xi1>, vector<16xf32>, vector<16xi32>)
    %swap3A_908 = arith.constant 53 : i32
    %swap3A_909 = arith.index_cast %swap3A_908 : i32 to index
    %swap3A_910 = arith.constant 0 : index
    %swap3A_911 = tpu.vector_load %arg6[%swap3A_909, %swap3A_910] {strides = array<i32>} : memref<64x16xi32, #tpu.memory_space<vmem>>, vector<16xi32>,
    tpu.vector_store %arg6[%swap3A_909, %swap3A_910], %masked_sort3A_907 {strides = array<i32>} : memref<64x16xi32, #tpu.memory_space<vmem>>, vector<16xi32>,
    %jit3A_912 = arith.constant 0.000000e+00 : f32
    %broadcast_in_dim3A_913 = vector.broadcast %jit3A_912 : f32 to vector<16xf32>
    %select_n3A_914 = arith.select %lt3A_4, %masked_sort3A_906, %broadcast_in_dim3A_913 : vector<16xi1>, vector<16xf32>
    %broadcast_in_dim3A_915 = arith.constant 53 : i32
    %broadcast_in_dim3A_916 = vector.broadcast %broadcast_in_dim3A_915 : i32 to vector<16xi32>
    tpu.vector_store_idx %arg7[%broadcast_in_dim3A_916, %masked_sort3A_907], %select_n3A_914 : memref<64x16xf32, #tpu.memory_space<vmem>>[vector<16xi32>, vector<16xi32>], vector<16xf32>,
    %get3A_917 = arith.constant 54 : i32
    %get3A_918 = arith.index_cast %get3A_917 : i32 to index
    %get3A_919 = arith.constant 0 : index
    %get3A_920 = tpu.vector_load %arg5[%get3A_918, %get3A_919] {strides = array<i32>} : memref<64x16xf32, #tpu.memory_space<vmem>>, vector<16xf32>,
    %masked_sort3A_921 = arith.constant dense<true> : vector<16xi1>
    %masked_sort3A_922, %masked_sort3A_923, %masked_sort3A_924 = tpu.sort %get3A_920, %iota3A masked %masked_sort3A_921 {descending = true} : (vector<16xf32>, vector<16xi32>, vector<16xi1>) -> (vector<16xi1>, vector<16xf32>, vector<16xi32>)
    %swap3A_925 = arith.constant 54 : i32
    %swap3A_926 = arith.index_cast %swap3A_925 : i32 to index
    %swap3A_927 = arith.constant 0 : index
    %swap3A_928 = tpu.vector_load %arg6[%swap3A_926, %swap3A_927] {strides = array<i32>} : memref<64x16xi32, #tpu.memory_space<vmem>>, vector<16xi32>,
    tpu.vector_store %arg6[%swap3A_926, %swap3A_927], %masked_sort3A_924 {strides = array<i32>} : memref<64x16xi32, #tpu.memory_space<vmem>>, vector<16xi32>,
    %jit3A_929 = arith.constant 0.000000e+00 : f32
    %broadcast_in_dim3A_930 = vector.broadcast %jit3A_929 : f32 to vector<16xf32>
    %select_n3A_931 = arith.select %lt3A_4, %masked_sort3A_923, %broadcast_in_dim3A_930 : vector<16xi1>, vector<16xf32>
    %broadcast_in_dim3A_932 = arith.constant 54 : i32
    %broadcast_in_dim3A_933 = vector.broadcast %broadcast_in_dim3A_932 : i32 to vector<16xi32>
    tpu.vector_store_idx %arg7[%broadcast_in_dim3A_933, %masked_sort3A_924], %select_n3A_931 : memref<64x16xf32, #tpu.memory_space<vmem>>[vector<16xi32>, vector<16xi32>], vector<16xf32>,
    %get3A_934 = arith.constant 55 : i32
    %get3A_935 = arith.index_cast %get3A_934 : i32 to index
    %get3A_936 = arith.constant 0 : index
    %get3A_937 = tpu.vector_load %arg5[%get3A_935, %get3A_936] {strides = array<i32>} : memref<64x16xf32, #tpu.memory_space<vmem>>, vector<16xf32>,
    %masked_sort3A_938 = arith.constant dense<true> : vector<16xi1>
    %masked_sort3A_939, %masked_sort3A_940, %masked_sort3A_941 = tpu.sort %get3A_937, %iota3A masked %masked_sort3A_938 {descending = true} : (vector<16xf32>, vector<16xi32>, vector<16xi1>) -> (vector<16xi1>, vector<16xf32>, vector<16xi32>)
    %swap3A_942 = arith.constant 55 : i32
    %swap3A_943 = arith.index_cast %swap3A_942 : i32 to index
    %swap3A_944 = arith.constant 0 : index
    %swap3A_945 = tpu.vector_load %arg6[%swap3A_943, %swap3A_944] {strides = array<i32>} : memref<64x16xi32, #tpu.memory_space<vmem>>, vector<16xi32>,
    tpu.vector_store %arg6[%swap3A_943, %swap3A_944], %masked_sort3A_941 {strides = array<i32>} : memref<64x16xi32, #tpu.memory_space<vmem>>, vector<16xi32>,
    %jit3A_946 = arith.constant 0.000000e+00 : f32
    %broadcast_in_dim3A_947 = vector.broadcast %jit3A_946 : f32 to vector<16xf32>
    %select_n3A_948 = arith.select %lt3A_4, %masked_sort3A_940, %broadcast_in_dim3A_947 : vector<16xi1>, vector<16xf32>
    %broadcast_in_dim3A_949 = arith.constant 55 : i32
    %broadcast_in_dim3A_950 = vector.broadcast %broadcast_in_dim3A_949 : i32 to vector<16xi32>
    tpu.vector_store_idx %arg7[%broadcast_in_dim3A_950, %masked_sort3A_941], %select_n3A_948 : memref<64x16xf32, #tpu.memory_space<vmem>>[vector<16xi32>, vector<16xi32>], vector<16xf32>,
    %get3A_951 = arith.constant 56 : i32
    %get3A_952 = arith.index_cast %get3A_951 : i32 to index
    %get3A_953 = arith.constant 0 : index
    %get3A_954 = tpu.vector_load %arg5[%get3A_952, %get3A_953] {strides = array<i32>} : memref<64x16xf32, #tpu.memory_space<vmem>>, vector<16xf32>,
    %masked_sort3A_955 = arith.constant dense<true> : vector<16xi1>
    %masked_sort3A_956, %masked_sort3A_957, %masked_sort3A_958 = tpu.sort %get3A_954, %iota3A masked %masked_sort3A_955 {descending = true} : (vector<16xf32>, vector<16xi32>, vector<16xi1>) -> (vector<16xi1>, vector<16xf32>, vector<16xi32>)
    %swap3A_959 = arith.constant 56 : i32
    %swap3A_960 = arith.index_cast %swap3A_959 : i32 to index
    %swap3A_961 = arith.constant 0 : index
    %swap3A_962 = tpu.vector_load %arg6[%swap3A_960, %swap3A_961] {strides = array<i32>} : memref<64x16xi32, #tpu.memory_space<vmem>>, vector<16xi32>,
    tpu.vector_store %arg6[%swap3A_960, %swap3A_961], %masked_sort3A_958 {strides = array<i32>} : memref<64x16xi32, #tpu.memory_space<vmem>>, vector<16xi32>,
    %jit3A_963 = arith.constant 0.000000e+00 : f32
    %broadcast_in_dim3A_964 = vector.broadcast %jit3A_963 : f32 to vector<16xf32>
    %select_n3A_965 = arith.select %lt3A_4, %masked_sort3A_957, %broadcast_in_dim3A_964 : vector<16xi1>, vector<16xf32>
    %broadcast_in_dim3A_966 = arith.constant 56 : i32
    %broadcast_in_dim3A_967 = vector.broadcast %broadcast_in_dim3A_966 : i32 to vector<16xi32>
    tpu.vector_store_idx %arg7[%broadcast_in_dim3A_967, %masked_sort3A_958], %select_n3A_965 : memref<64x16xf32, #tpu.memory_space<vmem>>[vector<16xi32>, vector<16xi32>], vector<16xf32>,
    %get3A_968 = arith.constant 57 : i32
    %get3A_969 = arith.index_cast %get3A_968 : i32 to index
    %get3A_970 = arith.constant 0 : index
    %get3A_971 = tpu.vector_load %arg5[%get3A_969, %get3A_970] {strides = array<i32>} : memref<64x16xf32, #tpu.memory_space<vmem>>, vector<16xf32>,
    %masked_sort3A_972 = arith.constant dense<true> : vector<16xi1>
    %masked_sort3A_973, %masked_sort3A_974, %masked_sort3A_975 = tpu.sort %get3A_971, %iota3A masked %masked_sort3A_972 {descending = true} : (vector<16xf32>, vector<16xi32>, vector<16xi1>) -> (vector<16xi1>, vector<16xf32>, vector<16xi32>)
    %swap3A_976 = arith.constant 57 : i32
    %swap3A_977 = arith.index_cast %swap3A_976 : i32 to index
    %swap3A_978 = arith.constant 0 : index
    %swap3A_979 = tpu.vector_load %arg6[%swap3A_977, %swap3A_978] {strides = array<i32>} : memref<64x16xi32, #tpu.memory_space<vmem>>, vector<16xi32>,
    tpu.vector_store %arg6[%swap3A_977, %swap3A_978], %masked_sort3A_975 {strides = array<i32>} : memref<64x16xi32, #tpu.memory_space<vmem>>, vector<16xi32>,
    %jit3A_980 = arith.constant 0.000000e+00 : f32
    %broadcast_in_dim3A_981 = vector.broadcast %jit3A_980 : f32 to vector<16xf32>
    %select_n3A_982 = arith.select %lt3A_4, %masked_sort3A_974, %broadcast_in_dim3A_981 : vector<16xi1>, vector<16xf32>
    %broadcast_in_dim3A_983 = arith.constant 57 : i32
    %broadcast_in_dim3A_984 = vector.broadcast %broadcast_in_dim3A_983 : i32 to vector<16xi32>
    tpu.vector_store_idx %arg7[%broadcast_in_dim3A_984, %masked_sort3A_975], %select_n3A_982 : memref<64x16xf32, #tpu.memory_space<vmem>>[vector<16xi32>, vector<16xi32>], vector<16xf32>,
    %get3A_985 = arith.constant 58 : i32
    %get3A_986 = arith.index_cast %get3A_985 : i32 to index
    %get3A_987 = arith.constant 0 : index
    %get3A_988 = tpu.vector_load %arg5[%get3A_986, %get3A_987] {strides = array<i32>} : memref<64x16xf32, #tpu.memory_space<vmem>>, vector<16xf32>,
    %masked_sort3A_989 = arith.constant dense<true> : vector<16xi1>
    %masked_sort3A_990, %masked_sort3A_991, %masked_sort3A_992 = tpu.sort %get3A_988, %iota3A masked %masked_sort3A_989 {descending = true} : (vector<16xf32>, vector<16xi32>, vector<16xi1>) -> (vector<16xi1>, vector<16xf32>, vector<16xi32>)
    %swap3A_993 = arith.constant 58 : i32
    %swap3A_994 = arith.index_cast %swap3A_993 : i32 to index
    %swap3A_995 = arith.constant 0 : index
    %swap3A_996 = tpu.vector_load %arg6[%swap3A_994, %swap3A_995] {strides = array<i32>} : memref<64x16xi32, #tpu.memory_space<vmem>>, vector<16xi32>,
    tpu.vector_store %arg6[%swap3A_994, %swap3A_995], %masked_sort3A_992 {strides = array<i32>} : memref<64x16xi32, #tpu.memory_space<vmem>>, vector<16xi32>,
    %jit3A_997 = arith.constant 0.000000e+00 : f32
    %broadcast_in_dim3A_998 = vector.broadcast %jit3A_997 : f32 to vector<16xf32>
    %select_n3A_999 = arith.select %lt3A_4, %masked_sort3A_991, %broadcast_in_dim3A_998 : vector<16xi1>, vector<16xf32>
    %broadcast_in_dim3A_1000 = arith.constant 58 : i32
    %broadcast_in_dim3A_1001 = vector.broadcast %broadcast_in_dim3A_1000 : i32 to vector<16xi32>
    tpu.vector_store_idx %arg7[%broadcast_in_dim3A_1001, %masked_sort3A_992], %select_n3A_999 : memref<64x16xf32, #tpu.memory_space<vmem>>[vector<16xi32>, vector<16xi32>], vector<16xf32>,
    %get3A_1002 = arith.constant 59 : i32
    %get3A_1003 = arith.index_cast %get3A_1002 : i32 to index
    %get3A_1004 = arith.constant 0 : index
    %get3A_1005 = tpu.vector_load %arg5[%get3A_1003, %get3A_1004] {strides = array<i32>} : memref<64x16xf32, #tpu.memory_space<vmem>>, vector<16xf32>,
    %masked_sort3A_1006 = arith.constant dense<true> : vector<16xi1>
    %masked_sort3A_1007, %masked_sort3A_1008, %masked_sort3A_1009 = tpu.sort %get3A_1005, %iota3A masked %masked_sort3A_1006 {descending = true} : (vector<16xf32>, vector<16xi32>, vector<16xi1>) -> (vector<16xi1>, vector<16xf32>, vector<16xi32>)
    %swap3A_1010 = arith.constant 59 : i32
    %swap3A_1011 = arith.index_cast %swap3A_1010 : i32 to index
    %swap3A_1012 = arith.constant 0 : index
    %swap3A_1013 = tpu.vector_load %arg6[%swap3A_1011, %swap3A_1012] {strides = array<i32>} : memref<64x16xi32, #tpu.memory_space<vmem>>, vector<16xi32>,
    tpu.vector_store %arg6[%swap3A_1011, %swap3A_1012], %masked_sort3A_1009 {strides = array<i32>} : memref<64x16xi32, #tpu.memory_space<vmem>>, vector<16xi32>,
    %jit3A_1014 = arith.constant 0.000000e+00 : f32
    %broadcast_in_dim3A_1015 = vector.broadcast %jit3A_1014 : f32 to vector<16xf32>
    %select_n3A_1016 = arith.select %lt3A_4, %masked_sort3A_1008, %broadcast_in_dim3A_1015 : vector<16xi1>, vector<16xf32>
    %broadcast_in_dim3A_1017 = arith.constant 59 : i32
    %broadcast_in_dim3A_1018 = vector.broadcast %broadcast_in_dim3A_1017 : i32 to vector<16xi32>
    tpu.vector_store_idx %arg7[%broadcast_in_dim3A_1018, %masked_sort3A_1009], %select_n3A_1016 : memref<64x16xf32, #tpu.memory_space<vmem>>[vector<16xi32>, vector<16xi32>], vector<16xf32>,
    %get3A_1019 = arith.constant 60 : i32
    %get3A_1020 = arith.index_cast %get3A_1019 : i32 to index
    %get3A_1021 = arith.constant 0 : index
    %get3A_1022 = tpu.vector_load %arg5[%get3A_1020, %get3A_1021] {strides = array<i32>} : memref<64x16xf32, #tpu.memory_space<vmem>>, vector<16xf32>,
    %masked_sort3A_1023 = arith.constant dense<true> : vector<16xi1>
    %masked_sort3A_1024, %masked_sort3A_1025, %masked_sort3A_1026 = tpu.sort %get3A_1022, %iota3A masked %masked_sort3A_1023 {descending = true} : (vector<16xf32>, vector<16xi32>, vector<16xi1>) -> (vector<16xi1>, vector<16xf32>, vector<16xi32>)
    %swap3A_1027 = arith.constant 60 : i32
    %swap3A_1028 = arith.index_cast %swap3A_1027 : i32 to index
    %swap3A_1029 = arith.constant 0 : index
    %swap3A_1030 = tpu.vector_load %arg6[%swap3A_1028, %swap3A_1029] {strides = array<i32>} : memref<64x16xi32, #tpu.memory_space<vmem>>, vector<16xi32>,
    tpu.vector_store %arg6[%swap3A_1028, %swap3A_1029], %masked_sort3A_1026 {strides = array<i32>} : memref<64x16xi32, #tpu.memory_space<vmem>>, vector<16xi32>,
    %jit3A_1031 = arith.constant 0.000000e+00 : f32
    %broadcast_in_dim3A_1032 = vector.broadcast %jit3A_1031 : f32 to vector<16xf32>
    %select_n3A_1033 = arith.select %lt3A_4, %masked_sort3A_1025, %broadcast_in_dim3A_1032 : vector<16xi1>, vector<16xf32>
    %broadcast_in_dim3A_1034 = arith.constant 60 : i32
    %broadcast_in_dim3A_1035 = vector.broadcast %broadcast_in_dim3A_1034 : i32 to vector<16xi32>
    tpu.vector_store_idx %arg7[%broadcast_in_dim3A_1035, %masked_sort3A_1026], %select_n3A_1033 : memref<64x16xf32, #tpu.memory_space<vmem>>[vector<16xi32>, vector<16xi32>], vector<16xf32>,
    %get3A_1036 = arith.constant 61 : i32
    %get3A_1037 = arith.index_cast %get3A_1036 : i32 to index
    %get3A_1038 = arith.constant 0 : index
    %get3A_1039 = tpu.vector_load %arg5[%get3A_1037, %get3A_1038] {strides = array<i32>} : memref<64x16xf32, #tpu.memory_space<vmem>>, vector<16xf32>,
    %masked_sort3A_1040 = arith.constant dense<true> : vector<16xi1>
    %masked_sort3A_1041, %masked_sort3A_1042, %masked_sort3A_1043 = tpu.sort %get3A_1039, %iota3A masked %masked_sort3A_1040 {descending = true} : (vector<16xf32>, vector<16xi32>, vector<16xi1>) -> (vector<16xi1>, vector<16xf32>, vector<16xi32>)
    %swap3A_1044 = arith.constant 61 : i32
    %swap3A_1045 = arith.index_cast %swap3A_1044 : i32 to index
    %swap3A_1046 = arith.constant 0 : index
    %swap3A_1047 = tpu.vector_load %arg6[%swap3A_1045, %swap3A_1046] {strides = array<i32>} : memref<64x16xi32, #tpu.memory_space<vmem>>, vector<16xi32>,
    tpu.vector_store %arg6[%swap3A_1045, %swap3A_1046], %masked_sort3A_1043 {strides = array<i32>} : memref<64x16xi32, #tpu.memory_space<vmem>>, vector<16xi32>,
    %jit3A_1048 = arith.constant 0.000000e+00 : f32
    %broadcast_in_dim3A_1049 = vector.broadcast %jit3A_1048 : f32 to vector<16xf32>
    %select_n3A_1050 = arith.select %lt3A_4, %masked_sort3A_1042, %broadcast_in_dim3A_1049 : vector<16xi1>, vector<16xf32>
    %broadcast_in_dim3A_1051 = arith.constant 61 : i32
    %broadcast_in_dim3A_1052 = vector.broadcast %broadcast_in_dim3A_1051 : i32 to vector<16xi32>
    tpu.vector_store_idx %arg7[%broadcast_in_dim3A_1052, %masked_sort3A_1043], %select_n3A_1050 : memref<64x16xf32, #tpu.memory_space<vmem>>[vector<16xi32>, vector<16xi32>], vector<16xf32>,
    %get3A_1053 = arith.constant 62 : i32
    %get3A_1054 = arith.index_cast %get3A_1053 : i32 to index
    %get3A_1055 = arith.constant 0 : index
    %get3A_1056 = tpu.vector_load %arg5[%get3A_1054, %get3A_1055] {strides = array<i32>} : memref<64x16xf32, #tpu.memory_space<vmem>>, vector<16xf32>,
    %masked_sort3A_1057 = arith.constant dense<true> : vector<16xi1>
    %masked_sort3A_1058, %masked_sort3A_1059, %masked_sort3A_1060 = tpu.sort %get3A_1056, %iota3A masked %masked_sort3A_1057 {descending = true} : (vector<16xf32>, vector<16xi32>, vector<16xi1>) -> (vector<16xi1>, vector<16xf32>, vector<16xi32>)
    %swap3A_1061 = arith.constant 62 : i32
    %swap3A_1062 = arith.index_cast %swap3A_1061 : i32 to index
    %swap3A_1063 = arith.constant 0 : index
    %swap3A_1064 = tpu.vector_load %arg6[%swap3A_1062, %swap3A_1063] {strides = array<i32>} : memref<64x16xi32, #tpu.memory_space<vmem>>, vector<16xi32>,
    tpu.vector_store %arg6[%swap3A_1062, %swap3A_1063], %masked_sort3A_1060 {strides = array<i32>} : memref<64x16xi32, #tpu.memory_space<vmem>>, vector<16xi32>,
    %jit3A_1065 = arith.constant 0.000000e+00 : f32
    %broadcast_in_dim3A_1066 = vector.broadcast %jit3A_1065 : f32 to vector<16xf32>
    %select_n3A_1067 = arith.select %lt3A_4, %masked_sort3A_1059, %broadcast_in_dim3A_1066 : vector<16xi1>, vector<16xf32>
    %broadcast_in_dim3A_1068 = arith.constant 62 : i32
    %broadcast_in_dim3A_1069 = vector.broadcast %broadcast_in_dim3A_1068 : i32 to vector<16xi32>
    tpu.vector_store_idx %arg7[%broadcast_in_dim3A_1069, %masked_sort3A_1060], %select_n3A_1067 : memref<64x16xf32, #tpu.memory_space<vmem>>[vector<16xi32>, vector<16xi32>], vector<16xf32>,
    %get3A_1070 = arith.constant 63 : i32
    %get3A_1071 = arith.index_cast %get3A_1070 : i32 to index
    %get3A_1072 = arith.constant 0 : index
    %get3A_1073 = tpu.vector_load %arg5[%get3A_1071, %get3A_1072] {strides = array<i32>} : memref<64x16xf32, #tpu.memory_space<vmem>>, vector<16xf32>,
    %masked_sort3A_1074 = arith.constant dense<true> : vector<16xi1>
    %masked_sort3A_1075, %masked_sort3A_1076, %masked_sort3A_1077 = tpu.sort %get3A_1073, %iota3A masked %masked_sort3A_1074 {descending = true} : (vector<16xf32>, vector<16xi32>, vector<16xi1>) -> (vector<16xi1>, vector<16xf32>, vector<16xi32>)
    %swap3A_1078 = arith.constant 63 : i32
    %swap3A_1079 = arith.index_cast %swap3A_1078 : i32 to index
    %swap3A_1080 = arith.constant 0 : index
    %swap3A_1081 = tpu.vector_load %arg6[%swap3A_1079, %swap3A_1080] {strides = array<i32>} : memref<64x16xi32, #tpu.memory_space<vmem>>, vector<16xi32>,
    tpu.vector_store %arg6[%swap3A_1079, %swap3A_1080], %masked_sort3A_1077 {strides = array<i32>} : memref<64x16xi32, #tpu.memory_space<vmem>>, vector<16xi32>,
    %jit3A_1082 = arith.constant 0.000000e+00 : f32
    %broadcast_in_dim3A_1083 = vector.broadcast %jit3A_1082 : f32 to vector<16xf32>
    %select_n3A_1084 = arith.select %lt3A_4, %masked_sort3A_1076, %broadcast_in_dim3A_1083 : vector<16xi1>, vector<16xf32>
    %broadcast_in_dim3A_1085 = arith.constant 63 : i32
    %broadcast_in_dim3A_1086 = vector.broadcast %broadcast_in_dim3A_1085 : i32 to vector<16xi32>
    tpu.vector_store_idx %arg7[%broadcast_in_dim3A_1086, %masked_sort3A_1077], %select_n3A_1084 : memref<64x16xf32, #tpu.memory_space<vmem>>[vector<16xi32>, vector<16xi32>], vector<16xf32>,
    "tpu.region"() ({
      %run_scoped3A = tpu.sem_alloc : memref<!tpu.dma_semaphore, #tpu.memory_space<semaphore_mem>>
      %dma_start3A = arith.constant 0 : i32
      %dma_start3A_1087 = tpu.memref_slice %arg3[%mul3A_2, %dma_start3A] : memref<2048x16xi32, #tpu.memory_space<hbm>> -> memref<64x16xi32, #tpu.memory_space<hbm>>
      %dma_start3A_1088 = arith.constant 0 : i32
      %dma_start3A_1089 = tpu.memref_slice %arg3[%mul3A_2, %dma_start3A_1088] : memref<2048x16xi32, #tpu.memory_space<hbm>> -> memref<64x16xi32, #tpu.memory_space<hbm>>
      tpu.enqueue_dma source(%arg6 : memref<64x16xi32, #tpu.memory_space<vmem>>) target(%dma_start3A_1089 : memref<64x16xi32, #tpu.memory_space<hbm>>) target_semaphore(%run_scoped3A : memref<!tpu.dma_semaphore, #tpu.memory_space<semaphore_mem>>)
      %dma_wait3A = arith.constant 0 : i32
      %dma_wait3A_1090 = tpu.memref_slice %arg3[%mul3A_2, %dma_wait3A] : memref<2048x16xi32, #tpu.memory_space<hbm>> -> memref<64x16xi32, #tpu.memory_space<hbm>>
      %dma_wait3A_1091 = arith.constant 0 : i32
      %dma_wait3A_1092 = tpu.memref_slice %arg3[%mul3A_2, %dma_wait3A_1091] : memref<2048x16xi32, #tpu.memory_space<hbm>> -> memref<64x16xi32, #tpu.memory_space<hbm>>
      tpu.wait_dma2 semaphore(%run_scoped3A : memref<!tpu.dma_semaphore, #tpu.memory_space<semaphore_mem>>) src(%arg6 : memref<64x16xi32, #tpu.memory_space<vmem>>) dst(%dma_wait3A_1092 : memref<64x16xi32, #tpu.memory_space<hbm>>)
      tpu.yield
    }) : () -> ()
    "tpu.region"() ({
      %run_scoped3A = tpu.sem_alloc : memref<!tpu.dma_semaphore, #tpu.memory_space<semaphore_mem>>
      %dma_start3A = arith.constant 0 : i32
      %dma_start3A_1087 = tpu.memref_slice %arg4[%mul3A_2, %dma_start3A] : memref<2048x16xf32, #tpu.memory_space<hbm>> -> memref<64x16xf32, #tpu.memory_space<hbm>>
      %dma_start3A_1088 = arith.constant 0 : i32
      %dma_start3A_1089 = tpu.memref_slice %arg4[%mul3A_2, %dma_start3A_1088] : memref<2048x16xf32, #tpu.memory_space<hbm>> -> memref<64x16xf32, #tpu.memory_space<hbm>>
      tpu.enqueue_dma source(%arg7 : memref<64x16xf32, #tpu.memory_space<vmem>>) target(%dma_start3A_1089 : memref<64x16xf32, #tpu.memory_space<hbm>>) target_semaphore(%run_scoped3A : memref<!tpu.dma_semaphore, #tpu.memory_space<semaphore_mem>>)
      %dma_wait3A = arith.constant 0 : i32
      %dma_wait3A_1090 = tpu.memref_slice %arg4[%mul3A_2, %dma_wait3A] : memref<2048x16xf32, #tpu.memory_space<hbm>> -> memref<64x16xf32, #tpu.memory_space<hbm>>
      %dma_wait3A_1091 = arith.constant 0 : i32
      %dma_wait3A_1092 = tpu.memref_slice %arg4[%mul3A_2, %dma_wait3A_1091] : memref<2048x16xf32, #tpu.memory_space<hbm>> -> memref<64x16xf32, #tpu.memory_space<hbm>>
      tpu.wait_dma2 semaphore(%run_scoped3A : memref<!tpu.dma_semaphore, #tpu.memory_space<semaphore_mem>>) src(%arg7 : memref<64x16xf32, #tpu.memory_space<vmem>>) dst(%dma_wait3A_1092 : memref<64x16xf32, #tpu.memory_space<hbm>>)
      tpu.yield
    }) : () -> ()
    return
  }
}

module attributes {stable_mosaic.version = 14 : i64} {
  func.func @_gate_body(%arg0: memref<2048x1024xf32, #tpu.memory_space<vmem>>, %arg1: memref<1024x128xf32, #tpu.memory_space<vmem>>, %arg2: memref<1x128xf32, #tpu.memory_space<vmem>>, %arg3: memref<128x16xf32, #tpu.memory_space<vmem>>, %arg4: memref<1x16xf32, #tpu.memory_space<vmem>>, %arg5: memref<2048x16xf32, #tpu.memory_space<vmem>>, %arg6: memref<1x1xf32, #tpu.memory_space<vmem>>) attributes {dimension_semantics = [], scalar_prefetch = 0 : i64, scratch_operands = 0 : i64, tpu.core_type = #tpu.core_type<tc>} {
    %get3A = arith.constant 0 : index
    %get3A_0 = arith.constant 0 : index
    %get3A_1 = vector.load %arg0[%get3A, %get3A_0] : memref<2048x1024xf32, #tpu.memory_space<vmem>>, vector<2048x1024xf32>
    %get3A_2 = arith.constant 0 : index
    %get3A_3 = arith.constant 0 : index
    %get3A_4 = vector.load %arg1[%get3A_2, %get3A_3] : memref<1024x128xf32, #tpu.memory_space<vmem>>, vector<1024x128xf32>
    %dot_general3A = arith.constant dense<0.000000e+00> : vector<2048x128xf32>
    %dot_general3A_5 = tpu.matmul %get3A_1, %get3A_4, %dot_general3A {dimension_numbers = #tpu.dot_dimension_numbers<[1], [0], [0], [1], [0, 0, 1, 1], [], []>, transpose_lhs_hint = false} : vector<2048x1024xf32>, vector<1024x128xf32>, vector<2048x128xf32> -> vector<2048x128xf32>
    %get3A_6 = arith.constant 0 : index
    %get3A_7 = arith.constant 0 : index
    %get3A_8 = vector.load %arg2[%get3A_6, %get3A_7] : memref<1x128xf32, #tpu.memory_space<vmem>>, vector<1x128xf32>
    %add3A = vector.broadcast %get3A_8 : vector<1x128xf32> to vector<2048x128xf32>
    %add3A_9 = arith.addf %dot_general3A_5, %add3A : vector<2048x128xf32>
    %max3A = arith.constant 0.000000e+00 : f32
    %max3A_10 = vector.broadcast %max3A : f32 to vector<2048x128xf32>
    %max3A_11 = arith.maximumf %add3A_9, %max3A_10 : vector<2048x128xf32>
    %get3A_12 = arith.constant 0 : index
    %get3A_13 = arith.constant 0 : index
    %get3A_14 = vector.load %arg3[%get3A_12, %get3A_13] : memref<128x16xf32, #tpu.memory_space<vmem>>, vector<128x16xf32>
    %dot_general3A_15 = arith.constant dense<0.000000e+00> : vector<2048x16xf32>
    %dot_general3A_16 = tpu.matmul %max3A_11, %get3A_14, %dot_general3A_15 {dimension_numbers = #tpu.dot_dimension_numbers<[1], [0], [0], [1], [0, 0, 1, 1], [], []>, transpose_lhs_hint = false} : vector<2048x128xf32>, vector<128x16xf32>, vector<2048x16xf32> -> vector<2048x16xf32>
    %get3A_17 = arith.constant 0 : index
    %get3A_18 = arith.constant 0 : index
    %get3A_19 = vector.load %arg4[%get3A_17, %get3A_18] : memref<1x16xf32, #tpu.memory_space<vmem>>, vector<1x16xf32>
    %add3A_20 = vector.broadcast %get3A_19 : vector<1x16xf32> to vector<2048x16xf32>
    %add3A_21 = arith.addf %dot_general3A_16, %add3A_20 : vector<2048x16xf32>
    %reduce_max3A = arith.constant dense<0xFF800000> : vector<2048xf32>
    %reduce_max3A_22 = vector.multi_reduction <maximumf>, %add3A_21, %reduce_max3A [1] : vector<2048x16xf32> to vector<2048xf32>
    %broadcast_in_dim3A = vector.shape_cast %reduce_max3A_22 : vector<2048xf32> to vector<2048x1xf32>
    %sub3A = vector.broadcast %broadcast_in_dim3A : vector<2048x1xf32> to vector<2048x16xf32>
    %sub3A_23 = arith.subf %add3A_21, %sub3A : vector<2048x16xf32>
    %exp3A = math.exp %sub3A_23 : vector<2048x16xf32>
    %reduce_sum3A = arith.constant dense<0.000000e+00> : vector<2048xf32>
    %reduce_sum3A_24 = vector.multi_reduction <add>, %exp3A, %reduce_sum3A [1] : vector<2048x16xf32> to vector<2048xf32>
    %broadcast_in_dim3A_25 = vector.shape_cast %reduce_sum3A_24 : vector<2048xf32> to vector<2048x1xf32>
    %div3A = vector.broadcast %broadcast_in_dim3A_25 : vector<2048x1xf32> to vector<2048x16xf32>
    %div3A_26 = arith.divf %exp3A, %div3A : vector<2048x16xf32>
    %swap3A = arith.constant 0 : index
    %swap3A_27 = arith.constant 0 : index
    %swap3A_28 = vector.load %arg5[%swap3A, %swap3A_27] : memref<2048x16xf32, #tpu.memory_space<vmem>>, vector<2048x16xf32>
    tpu.vector_store %arg5[%swap3A, %swap3A_27], %div3A_26 {strides = array<i32>} : memref<2048x16xf32, #tpu.memory_space<vmem>>, vector<2048x16xf32>,
    %gt3A = arith.constant 0.00999999977 : f32
    %gt3A_29 = vector.broadcast %gt3A : f32 to vector<2048x16xf32>
    %gt3A_30 = arith.cmpf ogt, %div3A_26, %gt3A_29 : vector<2048x16xf32>
    %convert_element_type3A = arith.extui %gt3A_30 : vector<2048x16xi1> to vector<2048x16xi32>
    %convert_element_type3A_31 = arith.sitofp %convert_element_type3A : vector<2048x16xi32> to vector<2048x16xf32>
    %reduce_sum3A_32 = vector.shape_cast %convert_element_type3A_31 : vector<2048x16xf32> to vector<1x2048x16xf32>
    %reduce_sum3A_33 = arith.constant dense<0.000000e+00> : vector<1xf32>
    %reduce_sum3A_34 = vector.multi_reduction <add>, %reduce_sum3A_32, %reduce_sum3A_33 [1, 2] : vector<1x2048x16xf32> to vector<1xf32>
    %reduce_sum3A_35 = vector.shape_cast %reduce_sum3A_34 : vector<1xf32> to vector<1x1x1xf32>
    %reduce_sum3A_36 = vector.extract %reduce_sum3A_35[0, 0, 0] : f32 from vector<1x1x1xf32>
    %reshape3A = vector.broadcast %reduce_sum3A_36 : f32 to vector<1x1xf32>
    %div3A_37 = arith.constant 3.276800e+04 : f32
    %div3A_38 = vector.broadcast %div3A_37 : f32 to vector<1x1xf32>
    %div3A_39 = arith.divf %reshape3A, %div3A_38 : vector<1x1xf32>
    %swap3A_40 = arith.constant 0 : index
    %swap3A_41 = arith.constant 0 : index
    %swap3A_42 = vector.load %arg6[%swap3A_40, %swap3A_41] : memref<1x1xf32, #tpu.memory_space<vmem>>, vector<1x1xf32>
    tpu.vector_store %arg6[%swap3A_40, %swap3A_41], %div3A_39 {strides = array<i32>} : memref<1x1xf32, #tpu.memory_space<vmem>>, vector<1x1xf32>,
    return
  }
}

module attributes {stable_mosaic.version = 14 : i64} {
  func.func @_expert_body(%arg0: i32, %arg1: memref<2048x1024xf32, #tpu.memory_space<vmem>>, %arg2: memref<2048x16xf32, #tpu.memory_space<vmem>>, %arg3: memref<2048x8xi32, #tpu.memory_space<vmem>>, %arg4: memref<2x1024x128xf32, #tpu.memory_space<vmem>>, %arg5: memref<2x1x128xf32, #tpu.memory_space<vmem>>, %arg6: memref<2x128x128xf32, #tpu.memory_space<vmem>>, %arg7: memref<2x1x128xf32, #tpu.memory_space<vmem>>, %arg8: memref<16x128x1024xf32, #tpu.memory_space<vmem>>, %arg9: memref<16x1x1024xf32, #tpu.memory_space<vmem>>, %arg10: memref<2x1024x32xf32, #tpu.memory_space<vmem>>, %arg11: memref<2x1x32xf32, #tpu.memory_space<vmem>>, %arg12: memref<2x1x33xf32, #tpu.memory_space<vmem>>, %arg13: memref<2048x1024xf32, #tpu.memory_space<vmem>>, %arg14: memref<2048x8xf32, #tpu.memory_space<vmem>>, %arg15: memref<2048x2048xbf16, #tpu.memory_space<vmem>>, %arg16: memref<2048x16xf32, #tpu.memory_space<vmem>>) attributes {dimension_semantics = [#tpu.dimension_semantics<arbitrary>], iteration_bounds = array<i64: 8>, scalar_prefetch = 0 : i64, scratch_operands = 2 : i64, tpu.core_type = #tpu.core_type<tc>, window_params = [{pipeline_mode = #tpu.pipeline_mode<synchronous>, transform_indices = @transform_0, window_bounds = array<i64: 2048, 1024>}, {pipeline_mode = #tpu.pipeline_mode<synchronous>, transform_indices = @transform_1, window_bounds = array<i64: 2048, 16>}, {pipeline_mode = #tpu.pipeline_mode<synchronous>, transform_indices = @transform_2, window_bounds = array<i64: 2048, 8>}, {transform_indices = @transform_3, window_bounds = array<i64: 2, 1024, 128>}, {transform_indices = @transform_4, window_bounds = array<i64: 2, 1, 128>}, {transform_indices = @transform_5, window_bounds = array<i64: 2, 128, 128>}, {transform_indices = @transform_6, window_bounds = array<i64: 2, 1, 128>}, {pipeline_mode = #tpu.pipeline_mode<synchronous>, transform_indices = @transform_7, window_bounds = array<i64: 16, 128, 1024>}, {pipeline_mode = #tpu.pipeline_mode<synchronous>, transform_indices = @transform_8, window_bounds = array<i64: 16, 1, 1024>}, {transform_indices = @transform_9, window_bounds = array<i64: 2, 1024, 32>}, {transform_indices = @transform_10, window_bounds = array<i64: 2, 1, 32>}, {transform_indices = @transform_11, window_bounds = array<i64: 2, 1, 33>}, {pipeline_mode = #tpu.pipeline_mode<synchronous>, transform_indices = @transform_12, window_bounds = array<i64: 2048, 1024>}, {pipeline_mode = #tpu.pipeline_mode<synchronous>, transform_indices = @transform_13, window_bounds = array<i64: 2048, 8>}]} {
    %get3A = arith.constant 0 : index
    %get3A_0 = arith.constant 0 : index
    %get3A_1 = arith.constant 0 : index
    %get3A_2 = vector.load %arg4[%get3A, %get3A_0, %get3A_1] : memref<2x1024x128xf32, #tpu.memory_space<vmem>>, vector<1x1024x128xf32>
    %get3A_3 = vector.shape_cast %get3A_2 : vector<1x1024x128xf32> to vector<1024x128xf32>
    %get3A_4 = arith.constant 1 : index
    %get3A_5 = arith.constant 0 : index
    %get3A_6 = arith.constant 0 : index
    %get3A_7 = vector.load %arg4[%get3A_4, %get3A_5, %get3A_6] : memref<2x1024x128xf32, #tpu.memory_space<vmem>>, vector<1x1024x128xf32>
    %get3A_8 = vector.shape_cast %get3A_7 : vector<1x1024x128xf32> to vector<1024x128xf32>
    %concatenate3A = tpu.concatenate %get3A_3, %get3A_8 in 1 : vector<1024x128xf32>, vector<1024x128xf32> -> vector<1024x256xf32>
    %get3A_9 = arith.constant 0 : index
    %get3A_10 = arith.constant 0 : index
    %get3A_11 = arith.constant 0 : index
    %get3A_12 = vector.load %arg5[%get3A_9, %get3A_10, %get3A_11] : memref<2x1x128xf32, #tpu.memory_space<vmem>>, vector<1x1x128xf32>
    %get3A_13 = vector.shape_cast %get3A_12 : vector<1x1x128xf32> to vector<1x128xf32>
    %get3A_14 = arith.constant 1 : index
    %get3A_15 = arith.constant 0 : index
    %get3A_16 = arith.constant 0 : index
    %get3A_17 = vector.load %arg5[%get3A_14, %get3A_15, %get3A_16] : memref<2x1x128xf32, #tpu.memory_space<vmem>>, vector<1x1x128xf32>
    %get3A_18 = vector.shape_cast %get3A_17 : vector<1x1x128xf32> to vector<1x128xf32>
    %concatenate3A_19 = tpu.concatenate %get3A_13, %get3A_18 in 1 : vector<1x128xf32>, vector<1x128xf32> -> vector<1x256xf32>
    %get3A_20 = arith.constant 0 : index
    %get3A_21 = arith.constant 0 : index
    %get3A_22 = vector.load %arg1[%get3A_20, %get3A_21] : memref<2048x1024xf32, #tpu.memory_space<vmem>>, vector<2048x1024xf32>
    %dot_general3A = arith.constant dense<0.000000e+00> : vector<2048x256xf32>
    %dot_general3A_23 = tpu.matmul %get3A_22, %concatenate3A, %dot_general3A {dimension_numbers = #tpu.dot_dimension_numbers<[1], [0], [0], [1], [0, 0, 1, 1], [], []>, transpose_lhs_hint = false} : vector<2048x1024xf32>, vector<1024x256xf32>, vector<2048x256xf32> -> vector<2048x256xf32>
    %add3A = vector.broadcast %concatenate3A_19 : vector<1x256xf32> to vector<2048x256xf32>
    %add3A_24 = arith.addf %dot_general3A_23, %add3A : vector<2048x256xf32>
    %max3A = arith.constant 0.000000e+00 : f32
    %max3A_25 = vector.broadcast %max3A : f32 to vector<2048x256xf32>
    %max3A_26 = arith.maximumf %add3A_24, %max3A_25 : vector<2048x256xf32>
    %get3A_27 = arith.constant 0 : index
    %get3A_28 = arith.constant 0 : index
    %get3A_29 = arith.constant 0 : index
    %get3A_30 = vector.load %arg10[%get3A_27, %get3A_28, %get3A_29] : memref<2x1024x32xf32, #tpu.memory_space<vmem>>, vector<2x1024x32xf32>
    %iota3A = tpu.iota {dimensions = array<i32: 1>} : vector<1x16xi32>
    %mul3A = arith.constant 2 : i32
    %mul3A_31 = arith.muli %mul3A, %arg0 : i32
    %add3A_32 = arith.constant 0 : i32
    %add3A_33 = arith.addi %mul3A_31, %add3A_32 : i32
    %slice3A = vector.extract_strided_slice %max3A_26 {offsets = [0, 0], sizes = [2048, 128], strides = [1, 1]} : vector<2048x256xf32> to vector<2048x128xf32>
    %get3A_34 = arith.constant 0 : index
    %get3A_35 = arith.constant 0 : index
    %get3A_36 = arith.constant 0 : index
    %get3A_37 = vector.load %arg6[%get3A_34, %get3A_35, %get3A_36] : memref<2x128x128xf32, #tpu.memory_space<vmem>>, vector<1x128x128xf32>
    %get3A_38 = vector.shape_cast %get3A_37 : vector<1x128x128xf32> to vector<128x128xf32>
    %dot_general3A_39 = arith.constant dense<0.000000e+00> : vector<2048x128xf32>
    %dot_general3A_40 = tpu.matmul %slice3A, %get3A_38, %dot_general3A_39 {dimension_numbers = #tpu.dot_dimension_numbers<[1], [0], [0], [1], [0, 0, 1, 1], [], []>, transpose_lhs_hint = false} : vector<2048x128xf32>, vector<128x128xf32>, vector<2048x128xf32> -> vector<2048x128xf32>
    %get3A_41 = arith.constant 0 : index
    %get3A_42 = arith.constant 0 : index
    %get3A_43 = arith.constant 0 : index
    %get3A_44 = vector.load %arg7[%get3A_41, %get3A_42, %get3A_43] : memref<2x1x128xf32, #tpu.memory_space<vmem>>, vector<1x1x128xf32>
    %get3A_45 = vector.shape_cast %get3A_44 : vector<1x1x128xf32> to vector<1x128xf32>
    %add3A_46 = vector.broadcast %get3A_45 : vector<1x128xf32> to vector<2048x128xf32>
    %add3A_47 = arith.addf %dot_general3A_40, %add3A_46 : vector<2048x128xf32>
    %max3A_48 = arith.constant 0.000000e+00 : f32
    %max3A_49 = vector.broadcast %max3A_48 : f32 to vector<2048x128xf32>
    %max3A_50 = arith.maximumf %add3A_47, %max3A_49 : vector<2048x128xf32>
    %slice3A_51 = vector.extract_strided_slice %get3A_30 {offsets = [0, 0, 0], sizes = [1, 1024, 32], strides = [1, 1, 1]} : vector<2x1024x32xf32> to vector<1x1024x32xf32>
    %squeeze3A = vector.shape_cast %slice3A_51 : vector<1x1024x32xf32> to vector<1024x32xf32>
    %get3A_52 = arith.index_cast %add3A_33 : i32 to index
    %get3A_53 = arith.constant 0 : index
    %get3A_54 = arith.constant 0 : index
    %get3A_55 = vector.load %arg8[%get3A_52, %get3A_53, %get3A_54] : memref<16x128x1024xf32, #tpu.memory_space<vmem>>, vector<1x128x1024xf32>
    %get3A_56 = vector.shape_cast %get3A_55 : vector<1x128x1024xf32> to vector<128x1024xf32>
    %dot_general3A_57 = arith.constant dense<0.000000e+00> : vector<128x32xf32>
    %dot_general3A_58 = tpu.matmul %get3A_56, %squeeze3A, %dot_general3A_57 {dimension_numbers = #tpu.dot_dimension_numbers<[1], [0], [0], [1], [0, 0, 1, 1], [], []>, transpose_lhs_hint = false} : vector<128x1024xf32>, vector<1024x32xf32>, vector<128x32xf32> -> vector<128x32xf32>
    %get3A_59 = arith.index_cast %add3A_33 : i32 to index
    %get3A_60 = arith.constant 0 : index
    %get3A_61 = arith.constant 0 : index
    %get3A_62 = vector.load %arg9[%get3A_59, %get3A_60, %get3A_61] : memref<16x1x1024xf32, #tpu.memory_space<vmem>>, vector<1x1x1024xf32>
    %get3A_63 = vector.shape_cast %get3A_62 : vector<1x1x1024xf32> to vector<1x1024xf32>
    %dot_general3A_64 = arith.constant dense<0.000000e+00> : vector<1x32xf32>
    %dot_general3A_65 = tpu.matmul %get3A_63, %squeeze3A, %dot_general3A_64 {dimension_numbers = #tpu.dot_dimension_numbers<[1], [0], [0], [1], [0, 0, 1, 1], [], []>, transpose_lhs_hint = false} : vector<1x1024xf32>, vector<1024x32xf32>, vector<1x32xf32> -> vector<1x32xf32>
    %dot_general3A_66 = arith.constant dense<0.000000e+00> : vector<2048x32xf32>
    %dot_general3A_67 = tpu.matmul %max3A_50, %dot_general3A_58, %dot_general3A_66 {dimension_numbers = #tpu.dot_dimension_numbers<[1], [0], [0], [1], [0, 0, 1, 1], [], []>, transpose_lhs_hint = false} : vector<2048x128xf32>, vector<128x32xf32>, vector<2048x32xf32> -> vector<2048x32xf32>
    %add3A_68 = vector.broadcast %dot_general3A_65 : vector<1x32xf32> to vector<2048x32xf32>
    %add3A_69 = arith.addf %dot_general3A_67, %add3A_68 : vector<2048x32xf32>
    %get3A_70 = arith.constant 0 : index
    %get3A_71 = arith.constant 0 : index
    %get3A_72 = arith.constant 0 : index
    %get3A_73 = vector.load %arg11[%get3A_70, %get3A_71, %get3A_72] : memref<2x1x32xf32, #tpu.memory_space<vmem>>, vector<1x1x32xf32>
    %get3A_74 = vector.shape_cast %get3A_73 : vector<1x1x32xf32> to vector<1x32xf32>
    %add3A_75 = vector.broadcast %get3A_74 : vector<1x32xf32> to vector<2048x32xf32>
    %add3A_76 = arith.addf %add3A_69, %add3A_75 : vector<2048x32xf32>
    %max3A_77 = arith.constant 0.000000e+00 : f32
    %max3A_78 = vector.broadcast %max3A_77 : f32 to vector<2048x32xf32>
    %max3A_79 = arith.maximumf %add3A_76, %max3A_78 : vector<2048x32xf32>
    %broadcast_in_dim3A = arith.constant 1.000000e+00 : f32
    %broadcast_in_dim3A_80 = vector.broadcast %broadcast_in_dim3A : f32 to vector<2048x1xf32>
    %concatenate3A_81 = tpu.concatenate %max3A_79, %broadcast_in_dim3A_80 in 1 : vector<2048x32xf32>, vector<2048x1xf32> -> vector<2048x33xf32>
    %get3A_82 = arith.constant 0 : index
    %get3A_83 = arith.constant 0 : index
    %get3A_84 = arith.constant 0 : index
    %get3A_85 = vector.load %arg12[%get3A_82, %get3A_83, %get3A_84] : memref<2x1x33xf32, #tpu.memory_space<vmem>>, vector<1x1x33xf32>
    %get3A_86 = vector.shape_cast %get3A_85 : vector<1x1x33xf32> to vector<1x33xf32>
    %dot_general3A_87 = arith.constant dense<0.000000e+00> : vector<2048x1xf32>
    %dot_general3A_88 = tpu.matmul %concatenate3A_81, %get3A_86, %dot_general3A_87 {dimension_numbers = #tpu.dot_dimension_numbers<[1], [1], [0], [0], [0, 0, 1, 0], [], []>, transpose_lhs_hint = false} : vector<2048x33xf32>, vector<1x33xf32>, vector<2048x1xf32> -> vector<2048x1xf32>
    %logistic3A = arith.negf %dot_general3A_88 : vector<2048x1xf32>
    %logistic3A_89 = math.exp %logistic3A : vector<2048x1xf32>
    %logistic3A_90 = arith.constant 1.000000e+00 : f32
    %logistic3A_91 = vector.broadcast %logistic3A_90 : f32 to vector<2048x1xf32>
    %logistic3A_92 = arith.addf %logistic3A_91, %logistic3A_89 : vector<2048x1xf32>
    %logistic3A_93 = arith.divf %logistic3A_91, %logistic3A_92 : vector<2048x1xf32>
    %eq3A = vector.broadcast %add3A_33 : i32 to vector<1x16xi32>
    %eq3A_94 = arith.cmpi eq, %iota3A, %eq3A : vector<1x16xi32>
    %convert_element_type3A = arith.extui %eq3A_94 : vector<1x16xi1> to vector<1x16xi32>
    %convert_element_type3A_95 = arith.sitofp %convert_element_type3A : vector<1x16xi32> to vector<1x16xf32>
    %get3A_96 = arith.constant 0 : index
    %get3A_97 = arith.constant 0 : index
    %get3A_98 = vector.load %arg2[%get3A_96, %get3A_97] : memref<2048x16xf32, #tpu.memory_space<vmem>>, vector<2048x16xf32>
    %dot_general3A_99 = arith.constant dense<0.000000e+00> : vector<2048x1xf32>
    %dot_general3A_100 = tpu.matmul %get3A_98, %convert_element_type3A_95, %dot_general3A_99 {dimension_numbers = #tpu.dot_dimension_numbers<[1], [1], [0], [0], [0, 0, 1, 0], [], []>, transpose_lhs_hint = false} : vector<2048x16xf32>, vector<1x16xf32>, vector<2048x1xf32> -> vector<2048x1xf32>
    %mul3A_101 = arith.mulf %dot_general3A_100, %logistic3A_93 : vector<2048x1xf32>
    %mul3A_102 = vector.broadcast %logistic3A_93 : vector<2048x1xf32> to vector<2048x16xf32>
    %mul3A_103 = vector.broadcast %convert_element_type3A_95 : vector<1x16xf32> to vector<2048x16xf32>
    %mul3A_104 = arith.mulf %mul3A_102, %mul3A_103 : vector<2048x16xf32>
    %mul3A_105 = vector.broadcast %mul3A_101 : vector<2048x1xf32> to vector<2048x128xf32>
    %mul3A_106 = arith.mulf %mul3A_105, %max3A_50 : vector<2048x128xf32>
    %convert_element_type3A_107 = arith.truncf %mul3A_106 : vector<2048x128xf32> to vector<2048x128xbf16>
    %mul3A_108 = arith.constant 128 : i32
    %mul3A_109 = arith.muli %add3A_33, %mul3A_108 : i32
    %swap3A = arith.constant 0 : index
    %swap3A_110 = arith.index_cast %mul3A_109 : i32 to index
    %swap3A_111 = vector.load %arg15[%swap3A, %swap3A_110] : memref<2048x2048xbf16, #tpu.memory_space<vmem>>, vector<2048x128xbf16>
    tpu.vector_store %arg15[%swap3A, %swap3A_110], %convert_element_type3A_107 {strides = array<i32>} : memref<2048x2048xbf16, #tpu.memory_space<vmem>>, vector<2048x128xbf16>,
    %mul3A_112 = arith.constant 2 : i32
    %mul3A_113 = arith.muli %mul3A_112, %arg0 : i32
    %add3A_114 = arith.constant 1 : i32
    %add3A_115 = arith.addi %mul3A_113, %add3A_114 : i32
    %slice3A_116 = vector.extract_strided_slice %max3A_26 {offsets = [0, 128], sizes = [2048, 128], strides = [1, 1]} : vector<2048x256xf32> to vector<2048x128xf32>
    %get3A_117 = arith.constant 1 : index
    %get3A_118 = arith.constant 0 : index
    %get3A_119 = arith.constant 0 : index
    %get3A_120 = vector.load %arg6[%get3A_117, %get3A_118, %get3A_119] : memref<2x128x128xf32, #tpu.memory_space<vmem>>, vector<1x128x128xf32>
    %get3A_121 = vector.shape_cast %get3A_120 : vector<1x128x128xf32> to vector<128x128xf32>
    %dot_general3A_122 = arith.constant dense<0.000000e+00> : vector<2048x128xf32>
    %dot_general3A_123 = tpu.matmul %slice3A_116, %get3A_121, %dot_general3A_122 {dimension_numbers = #tpu.dot_dimension_numbers<[1], [0], [0], [1], [0, 0, 1, 1], [], []>, transpose_lhs_hint = false} : vector<2048x128xf32>, vector<128x128xf32>, vector<2048x128xf32> -> vector<2048x128xf32>
    %get3A_124 = arith.constant 1 : index
    %get3A_125 = arith.constant 0 : index
    %get3A_126 = arith.constant 0 : index
    %get3A_127 = vector.load %arg7[%get3A_124, %get3A_125, %get3A_126] : memref<2x1x128xf32, #tpu.memory_space<vmem>>, vector<1x1x128xf32>
    %get3A_128 = vector.shape_cast %get3A_127 : vector<1x1x128xf32> to vector<1x128xf32>
    %add3A_129 = vector.broadcast %get3A_128 : vector<1x128xf32> to vector<2048x128xf32>
    %add3A_130 = arith.addf %dot_general3A_123, %add3A_129 : vector<2048x128xf32>
    %max3A_131 = arith.constant 0.000000e+00 : f32
    %max3A_132 = vector.broadcast %max3A_131 : f32 to vector<2048x128xf32>
    %max3A_133 = arith.maximumf %add3A_130, %max3A_132 : vector<2048x128xf32>
    %slice3A_134 = vector.extract_strided_slice %get3A_30 {offsets = [1, 0, 0], sizes = [1, 1024, 32], strides = [1, 1, 1]} : vector<2x1024x32xf32> to vector<1x1024x32xf32>
    %squeeze3A_135 = vector.shape_cast %slice3A_134 : vector<1x1024x32xf32> to vector<1024x32xf32>
    %get3A_136 = arith.index_cast %add3A_115 : i32 to index
    %get3A_137 = arith.constant 0 : index
    %get3A_138 = arith.constant 0 : index
    %get3A_139 = vector.load %arg8[%get3A_136, %get3A_137, %get3A_138] : memref<16x128x1024xf32, #tpu.memory_space<vmem>>, vector<1x128x1024xf32>
    %get3A_140 = vector.shape_cast %get3A_139 : vector<1x128x1024xf32> to vector<128x1024xf32>
    %dot_general3A_141 = arith.constant dense<0.000000e+00> : vector<128x32xf32>
    %dot_general3A_142 = tpu.matmul %get3A_140, %squeeze3A_135, %dot_general3A_141 {dimension_numbers = #tpu.dot_dimension_numbers<[1], [0], [0], [1], [0, 0, 1, 1], [], []>, transpose_lhs_hint = false} : vector<128x1024xf32>, vector<1024x32xf32>, vector<128x32xf32> -> vector<128x32xf32>
    %get3A_143 = arith.index_cast %add3A_115 : i32 to index
    %get3A_144 = arith.constant 0 : index
    %get3A_145 = arith.constant 0 : index
    %get3A_146 = vector.load %arg9[%get3A_143, %get3A_144, %get3A_145] : memref<16x1x1024xf32, #tpu.memory_space<vmem>>, vector<1x1x1024xf32>
    %get3A_147 = vector.shape_cast %get3A_146 : vector<1x1x1024xf32> to vector<1x1024xf32>
    %dot_general3A_148 = arith.constant dense<0.000000e+00> : vector<1x32xf32>
    %dot_general3A_149 = tpu.matmul %get3A_147, %squeeze3A_135, %dot_general3A_148 {dimension_numbers = #tpu.dot_dimension_numbers<[1], [0], [0], [1], [0, 0, 1, 1], [], []>, transpose_lhs_hint = false} : vector<1x1024xf32>, vector<1024x32xf32>, vector<1x32xf32> -> vector<1x32xf32>
    %dot_general3A_150 = arith.constant dense<0.000000e+00> : vector<2048x32xf32>
    %dot_general3A_151 = tpu.matmul %max3A_133, %dot_general3A_142, %dot_general3A_150 {dimension_numbers = #tpu.dot_dimension_numbers<[1], [0], [0], [1], [0, 0, 1, 1], [], []>, transpose_lhs_hint = false} : vector<2048x128xf32>, vector<128x32xf32>, vector<2048x32xf32> -> vector<2048x32xf32>
    %add3A_152 = vector.broadcast %dot_general3A_149 : vector<1x32xf32> to vector<2048x32xf32>
    %add3A_153 = arith.addf %dot_general3A_151, %add3A_152 : vector<2048x32xf32>
    %get3A_154 = arith.constant 1 : index
    %get3A_155 = arith.constant 0 : index
    %get3A_156 = arith.constant 0 : index
    %get3A_157 = vector.load %arg11[%get3A_154, %get3A_155, %get3A_156] : memref<2x1x32xf32, #tpu.memory_space<vmem>>, vector<1x1x32xf32>
    %get3A_158 = vector.shape_cast %get3A_157 : vector<1x1x32xf32> to vector<1x32xf32>
    %add3A_159 = vector.broadcast %get3A_158 : vector<1x32xf32> to vector<2048x32xf32>
    %add3A_160 = arith.addf %add3A_153, %add3A_159 : vector<2048x32xf32>
    %max3A_161 = arith.constant 0.000000e+00 : f32
    %max3A_162 = vector.broadcast %max3A_161 : f32 to vector<2048x32xf32>
    %max3A_163 = arith.maximumf %add3A_160, %max3A_162 : vector<2048x32xf32>
    %broadcast_in_dim3A_164 = arith.constant 1.000000e+00 : f32
    %broadcast_in_dim3A_165 = vector.broadcast %broadcast_in_dim3A_164 : f32 to vector<2048x1xf32>
    %concatenate3A_166 = tpu.concatenate %max3A_163, %broadcast_in_dim3A_165 in 1 : vector<2048x32xf32>, vector<2048x1xf32> -> vector<2048x33xf32>
    %get3A_167 = arith.constant 1 : index
    %get3A_168 = arith.constant 0 : index
    %get3A_169 = arith.constant 0 : index
    %get3A_170 = vector.load %arg12[%get3A_167, %get3A_168, %get3A_169] : memref<2x1x33xf32, #tpu.memory_space<vmem>>, vector<1x1x33xf32>
    %get3A_171 = vector.shape_cast %get3A_170 : vector<1x1x33xf32> to vector<1x33xf32>
    %dot_general3A_172 = arith.constant dense<0.000000e+00> : vector<2048x1xf32>
    %dot_general3A_173 = tpu.matmul %concatenate3A_166, %get3A_171, %dot_general3A_172 {dimension_numbers = #tpu.dot_dimension_numbers<[1], [1], [0], [0], [0, 0, 1, 0], [], []>, transpose_lhs_hint = false} : vector<2048x33xf32>, vector<1x33xf32>, vector<2048x1xf32> -> vector<2048x1xf32>
    %logistic3A_174 = arith.negf %dot_general3A_173 : vector<2048x1xf32>
    %logistic3A_175 = math.exp %logistic3A_174 : vector<2048x1xf32>
    %logistic3A_176 = arith.constant 1.000000e+00 : f32
    %logistic3A_177 = vector.broadcast %logistic3A_176 : f32 to vector<2048x1xf32>
    %logistic3A_178 = arith.addf %logistic3A_177, %logistic3A_175 : vector<2048x1xf32>
    %logistic3A_179 = arith.divf %logistic3A_177, %logistic3A_178 : vector<2048x1xf32>
    %eq3A_180 = vector.broadcast %add3A_115 : i32 to vector<1x16xi32>
    %eq3A_181 = arith.cmpi eq, %iota3A, %eq3A_180 : vector<1x16xi32>
    %convert_element_type3A_182 = arith.extui %eq3A_181 : vector<1x16xi1> to vector<1x16xi32>
    %convert_element_type3A_183 = arith.sitofp %convert_element_type3A_182 : vector<1x16xi32> to vector<1x16xf32>
    %get3A_184 = arith.constant 0 : index
    %get3A_185 = arith.constant 0 : index
    %get3A_186 = vector.load %arg2[%get3A_184, %get3A_185] : memref<2048x16xf32, #tpu.memory_space<vmem>>, vector<2048x16xf32>
    %dot_general3A_187 = arith.constant dense<0.000000e+00> : vector<2048x1xf32>
    %dot_general3A_188 = tpu.matmul %get3A_186, %convert_element_type3A_183, %dot_general3A_187 {dimension_numbers = #tpu.dot_dimension_numbers<[1], [1], [0], [0], [0, 0, 1, 0], [], []>, transpose_lhs_hint = false} : vector<2048x16xf32>, vector<1x16xf32>, vector<2048x1xf32> -> vector<2048x1xf32>
    %mul3A_189 = arith.mulf %dot_general3A_188, %logistic3A_179 : vector<2048x1xf32>
    %mul3A_190 = vector.broadcast %logistic3A_179 : vector<2048x1xf32> to vector<2048x16xf32>
    %mul3A_191 = vector.broadcast %convert_element_type3A_183 : vector<1x16xf32> to vector<2048x16xf32>
    %mul3A_192 = arith.mulf %mul3A_190, %mul3A_191 : vector<2048x16xf32>
    %add3A_193 = arith.addf %mul3A_104, %mul3A_192 : vector<2048x16xf32>
    %mul3A_194 = vector.broadcast %mul3A_189 : vector<2048x1xf32> to vector<2048x128xf32>
    %mul3A_195 = arith.mulf %mul3A_194, %max3A_133 : vector<2048x128xf32>
    %convert_element_type3A_196 = arith.truncf %mul3A_195 : vector<2048x128xf32> to vector<2048x128xbf16>
    %mul3A_197 = arith.constant 128 : i32
    %mul3A_198 = arith.muli %add3A_115, %mul3A_197 : i32
    %swap3A_199 = arith.constant 0 : index
    %swap3A_200 = arith.index_cast %mul3A_198 : i32 to index
    %swap3A_201 = vector.load %arg15[%swap3A_199, %swap3A_200] : memref<2048x2048xbf16, #tpu.memory_space<vmem>>, vector<2048x128xbf16>
    tpu.vector_store %arg15[%swap3A_199, %swap3A_200], %convert_element_type3A_196 {strides = array<i32>} : memref<2048x2048xbf16, #tpu.memory_space<vmem>>, vector<2048x128xbf16>,
    %eq3A_202 = arith.constant 0 : i32
    %eq3A_203 = arith.cmpi eq, %arg0, %eq3A_202 : i32
    %convert_element_type3A_204 = arith.extui %eq3A_203 : i1 to i32
    %cond3A = arith.constant 0 : i32
    %cond3A_205 = arith.cmpi ne, %convert_element_type3A_204, %cond3A : i32
    scf.if %cond3A_205 {
      %swap3A_215 = arith.constant 0 : index
      %swap3A_216 = arith.constant 0 : index
      %swap3A_217 = vector.load %arg16[%swap3A_215, %swap3A_216] : memref<2048x16xf32, #tpu.memory_space<vmem>>, vector<2048x16xf32>
      tpu.vector_store %arg16[%swap3A_215, %swap3A_216], %add3A_193 {strides = array<i32>} : memref<2048x16xf32, #tpu.memory_space<vmem>>, vector<2048x16xf32>,
    } else {
    }
    %gt3A = arith.constant 0 : i32
    %gt3A_206 = arith.cmpi sgt, %arg0, %gt3A : i32
    %convert_element_type3A_207 = arith.extui %gt3A_206 : i1 to i32
    %cond3A_208 = arith.constant 0 : i32
    %cond3A_209 = arith.cmpi ne, %convert_element_type3A_207, %cond3A_208 : i32
    scf.if %cond3A_209 {
      %get3A_215 = arith.constant 0 : index
      %get3A_216 = arith.constant 0 : index
      %get3A_217 = vector.load %arg16[%get3A_215, %get3A_216] : memref<2048x16xf32, #tpu.memory_space<vmem>>, vector<2048x16xf32>
      %add3A_218 = arith.addf %get3A_217, %add3A_193 : vector<2048x16xf32>
      %swap3A_219 = arith.constant 0 : index
      %swap3A_220 = arith.constant 0 : index
      %swap3A_221 = vector.load %arg16[%swap3A_219, %swap3A_220] : memref<2048x16xf32, #tpu.memory_space<vmem>>, vector<2048x16xf32>
      tpu.vector_store %arg16[%swap3A_219, %swap3A_220], %add3A_218 {strides = array<i32>} : memref<2048x16xf32, #tpu.memory_space<vmem>>, vector<2048x16xf32>,
    } else {
    }
    %eq3A_210 = arith.constant 7 : i32
    %eq3A_211 = arith.cmpi eq, %arg0, %eq3A_210 : i32
    %convert_element_type3A_212 = arith.extui %eq3A_211 : i1 to i32
    %cond3A_213 = arith.constant 0 : i32
    %cond3A_214 = arith.cmpi ne, %convert_element_type3A_212, %cond3A_213 : i32
    scf.if %cond3A_214 {
      %get3A_215 = arith.constant 0 : index
      %get3A_216 = arith.constant 0 : index
      %get3A_217 = vector.load %arg16[%get3A_215, %get3A_216] : memref<2048x16xf32, #tpu.memory_space<vmem>>, vector<2048x16xf32>
      %get3A_218 = arith.constant 0 : index
      %get3A_219 = arith.constant 0 : index
      %get3A_220 = vector.load %arg2[%get3A_218, %get3A_219] : memref<2048x16xf32, #tpu.memory_space<vmem>>, vector<2048x16xf32>
      %mul3A_221 = arith.mulf %get3A_220, %get3A_217 : vector<2048x16xf32>
      %reduce_sum3A = arith.constant dense<0.000000e+00> : vector<2048xf32>
      %reduce_sum3A_222 = vector.multi_reduction <add>, %mul3A_221, %reduce_sum3A [1] : vector<2048x16xf32> to vector<2048xf32>
      %broadcast_in_dim3A_223 = vector.shape_cast %reduce_sum3A_222 : vector<2048xf32> to vector<2048x1xf32>
      %get3A_224 = arith.constant 0 : index
      %get3A_225 = arith.constant 0 : index
      %get3A_226 = arith.constant 0 : index
      %get3A_227 = vector.load %arg8[%get3A_224, %get3A_225, %get3A_226] : memref<16x128x1024xf32, #tpu.memory_space<vmem>>, vector<16x128x1024xf32>
      %reshape3A = vector.shape_cast %get3A_227 : vector<16x128x1024xf32> to vector<2048x1024xf32>
      %get3A_228 = arith.constant 0 : index
      %get3A_229 = arith.constant 0 : index
      %get3A_230 = vector.load %arg15[%get3A_228, %get3A_229] : memref<2048x2048xbf16, #tpu.memory_space<vmem>>, vector<2048x2048xbf16>
      %dot_general3A_231 = arith.constant dense<0.000000e+00> : vector<2048x1024xf32>
      %dot_general3A_232 = tpu.matmul %get3A_230, %reshape3A, %dot_general3A_231 {dimension_numbers = #tpu.dot_dimension_numbers<[1], [0], [0], [1], [0, 0, 1, 1], [], []>, transpose_lhs_hint = false} : vector<2048x2048xbf16>, vector<2048x1024xf32>, vector<2048x1024xf32> -> vector<2048x1024xf32>
      %get3A_233 = arith.constant 0 : index
      %get3A_234 = arith.constant 0 : index
      %get3A_235 = arith.constant 0 : index
      %get3A_236 = vector.load %arg9[%get3A_233, %get3A_234, %get3A_235] : memref<16x1x1024xf32, #tpu.memory_space<vmem>>, vector<16x1x1024xf32>
      %reshape3A_237 = vector.shape_cast %get3A_236 : vector<16x1x1024xf32> to vector<16x1024xf32>
      %dot_general3A_238 = arith.constant dense<0.000000e+00> : vector<2048x1024xf32>
      %dot_general3A_239 = tpu.matmul %mul3A_221, %reshape3A_237, %dot_general3A_238 {dimension_numbers = #tpu.dot_dimension_numbers<[1], [0], [0], [1], [0, 0, 1, 1], [], []>, transpose_lhs_hint = false} : vector<2048x16xf32>, vector<16x1024xf32>, vector<2048x1024xf32> -> vector<2048x1024xf32>
      %add3A_240 = arith.addf %dot_general3A_232, %dot_general3A_239 : vector<2048x1024xf32>
      %add3A_241 = arith.constant 9.99999993E-9 : f32
      %add3A_242 = vector.broadcast %add3A_241 : f32 to vector<2048x1xf32>
      %add3A_243 = arith.addf %broadcast_in_dim3A_223, %add3A_242 : vector<2048x1xf32>
      %div3A = vector.broadcast %add3A_243 : vector<2048x1xf32> to vector<2048x1024xf32>
      %div3A_244 = arith.divf %add3A_240, %div3A : vector<2048x1024xf32>
      %swap3A_245 = arith.constant 0 : index
      %swap3A_246 = arith.constant 0 : index
      %swap3A_247 = vector.load %arg13[%swap3A_245, %swap3A_246] : memref<2048x1024xf32, #tpu.memory_space<vmem>>, vector<2048x1024xf32>
      tpu.vector_store %arg13[%swap3A_245, %swap3A_246], %div3A_244 {strides = array<i32>} : memref<2048x1024xf32, #tpu.memory_space<vmem>>, vector<2048x1024xf32>,
      %iota3A_248 = tpu.iota {dimensions = array<i32: 1>} : vector<1x16xi32>
      %get3A_249 = arith.constant 0 : index
      %get3A_250 = arith.constant 0 : index
      %get3A_251 = vector.load %arg3[%get3A_249, %get3A_250] : memref<2048x8xi32, #tpu.memory_space<vmem>>, vector<2048x8xi32>
      %slice3A_252 = vector.extract_strided_slice %get3A_251 {offsets = [0, 0], sizes = [2048, 1], strides = [1, 1]} : vector<2048x8xi32> to vector<2048x1xi32>
      %eq3A_253 = vector.broadcast %slice3A_252 : vector<2048x1xi32> to vector<2048x16xi32>
      %eq3A_254 = vector.broadcast %iota3A_248 : vector<1x16xi32> to vector<2048x16xi32>
      %eq3A_255 = arith.cmpi eq, %eq3A_253, %eq3A_254 : vector<2048x16xi32>
      %jit3A = arith.constant 0.000000e+00 : f32
      %broadcast_in_dim3A_256 = vector.broadcast %jit3A : f32 to vector<2048x16xf32>
      %select_n3A = arith.select %eq3A_255, %get3A_217, %broadcast_in_dim3A_256 : vector<2048x16xi1>, vector<2048x16xf32>
      %reduce_sum3A_257 = arith.constant dense<0.000000e+00> : vector<2048xf32>
      %reduce_sum3A_258 = vector.multi_reduction <add>, %select_n3A, %reduce_sum3A_257 [1] : vector<2048x16xf32> to vector<2048xf32>
      %broadcast_in_dim3A_259 = vector.shape_cast %reduce_sum3A_258 : vector<2048xf32> to vector<2048x1xf32>
      %slice3A_260 = vector.extract_strided_slice %get3A_251 {offsets = [0, 1], sizes = [2048, 1], strides = [1, 1]} : vector<2048x8xi32> to vector<2048x1xi32>
      %eq3A_261 = vector.broadcast %slice3A_260 : vector<2048x1xi32> to vector<2048x16xi32>
      %eq3A_262 = vector.broadcast %iota3A_248 : vector<1x16xi32> to vector<2048x16xi32>
      %eq3A_263 = arith.cmpi eq, %eq3A_261, %eq3A_262 : vector<2048x16xi32>
      %jit3A_264 = arith.constant 0.000000e+00 : f32
      %broadcast_in_dim3A_265 = vector.broadcast %jit3A_264 : f32 to vector<2048x16xf32>
      %select_n3A_266 = arith.select %eq3A_263, %get3A_217, %broadcast_in_dim3A_265 : vector<2048x16xi1>, vector<2048x16xf32>
      %reduce_sum3A_267 = arith.constant dense<0.000000e+00> : vector<2048xf32>
      %reduce_sum3A_268 = vector.multi_reduction <add>, %select_n3A_266, %reduce_sum3A_267 [1] : vector<2048x16xf32> to vector<2048xf32>
      %broadcast_in_dim3A_269 = vector.shape_cast %reduce_sum3A_268 : vector<2048xf32> to vector<2048x1xf32>
      %slice3A_270 = vector.extract_strided_slice %get3A_251 {offsets = [0, 2], sizes = [2048, 1], strides = [1, 1]} : vector<2048x8xi32> to vector<2048x1xi32>
      %eq3A_271 = vector.broadcast %slice3A_270 : vector<2048x1xi32> to vector<2048x16xi32>
      %eq3A_272 = vector.broadcast %iota3A_248 : vector<1x16xi32> to vector<2048x16xi32>
      %eq3A_273 = arith.cmpi eq, %eq3A_271, %eq3A_272 : vector<2048x16xi32>
      %jit3A_274 = arith.constant 0.000000e+00 : f32
      %broadcast_in_dim3A_275 = vector.broadcast %jit3A_274 : f32 to vector<2048x16xf32>
      %select_n3A_276 = arith.select %eq3A_273, %get3A_217, %broadcast_in_dim3A_275 : vector<2048x16xi1>, vector<2048x16xf32>
      %reduce_sum3A_277 = arith.constant dense<0.000000e+00> : vector<2048xf32>
      %reduce_sum3A_278 = vector.multi_reduction <add>, %select_n3A_276, %reduce_sum3A_277 [1] : vector<2048x16xf32> to vector<2048xf32>
      %broadcast_in_dim3A_279 = vector.shape_cast %reduce_sum3A_278 : vector<2048xf32> to vector<2048x1xf32>
      %slice3A_280 = vector.extract_strided_slice %get3A_251 {offsets = [0, 3], sizes = [2048, 1], strides = [1, 1]} : vector<2048x8xi32> to vector<2048x1xi32>
      %eq3A_281 = vector.broadcast %slice3A_280 : vector<2048x1xi32> to vector<2048x16xi32>
      %eq3A_282 = vector.broadcast %iota3A_248 : vector<1x16xi32> to vector<2048x16xi32>
      %eq3A_283 = arith.cmpi eq, %eq3A_281, %eq3A_282 : vector<2048x16xi32>
      %jit3A_284 = arith.constant 0.000000e+00 : f32
      %broadcast_in_dim3A_285 = vector.broadcast %jit3A_284 : f32 to vector<2048x16xf32>
      %select_n3A_286 = arith.select %eq3A_283, %get3A_217, %broadcast_in_dim3A_285 : vector<2048x16xi1>, vector<2048x16xf32>
      %reduce_sum3A_287 = arith.constant dense<0.000000e+00> : vector<2048xf32>
      %reduce_sum3A_288 = vector.multi_reduction <add>, %select_n3A_286, %reduce_sum3A_287 [1] : vector<2048x16xf32> to vector<2048xf32>
      %broadcast_in_dim3A_289 = vector.shape_cast %reduce_sum3A_288 : vector<2048xf32> to vector<2048x1xf32>
      %slice3A_290 = vector.extract_strided_slice %get3A_251 {offsets = [0, 4], sizes = [2048, 1], strides = [1, 1]} : vector<2048x8xi32> to vector<2048x1xi32>
      %eq3A_291 = vector.broadcast %slice3A_290 : vector<2048x1xi32> to vector<2048x16xi32>
      %eq3A_292 = vector.broadcast %iota3A_248 : vector<1x16xi32> to vector<2048x16xi32>
      %eq3A_293 = arith.cmpi eq, %eq3A_291, %eq3A_292 : vector<2048x16xi32>
      %jit3A_294 = arith.constant 0.000000e+00 : f32
      %broadcast_in_dim3A_295 = vector.broadcast %jit3A_294 : f32 to vector<2048x16xf32>
      %select_n3A_296 = arith.select %eq3A_293, %get3A_217, %broadcast_in_dim3A_295 : vector<2048x16xi1>, vector<2048x16xf32>
      %reduce_sum3A_297 = arith.constant dense<0.000000e+00> : vector<2048xf32>
      %reduce_sum3A_298 = vector.multi_reduction <add>, %select_n3A_296, %reduce_sum3A_297 [1] : vector<2048x16xf32> to vector<2048xf32>
      %broadcast_in_dim3A_299 = vector.shape_cast %reduce_sum3A_298 : vector<2048xf32> to vector<2048x1xf32>
      %slice3A_300 = vector.extract_strided_slice %get3A_251 {offsets = [0, 5], sizes = [2048, 1], strides = [1, 1]} : vector<2048x8xi32> to vector<2048x1xi32>
      %eq3A_301 = vector.broadcast %slice3A_300 : vector<2048x1xi32> to vector<2048x16xi32>
      %eq3A_302 = vector.broadcast %iota3A_248 : vector<1x16xi32> to vector<2048x16xi32>
      %eq3A_303 = arith.cmpi eq, %eq3A_301, %eq3A_302 : vector<2048x16xi32>
      %jit3A_304 = arith.constant 0.000000e+00 : f32
      %broadcast_in_dim3A_305 = vector.broadcast %jit3A_304 : f32 to vector<2048x16xf32>
      %select_n3A_306 = arith.select %eq3A_303, %get3A_217, %broadcast_in_dim3A_305 : vector<2048x16xi1>, vector<2048x16xf32>
      %reduce_sum3A_307 = arith.constant dense<0.000000e+00> : vector<2048xf32>
      %reduce_sum3A_308 = vector.multi_reduction <add>, %select_n3A_306, %reduce_sum3A_307 [1] : vector<2048x16xf32> to vector<2048xf32>
      %broadcast_in_dim3A_309 = vector.shape_cast %reduce_sum3A_308 : vector<2048xf32> to vector<2048x1xf32>
      %slice3A_310 = vector.extract_strided_slice %get3A_251 {offsets = [0, 6], sizes = [2048, 1], strides = [1, 1]} : vector<2048x8xi32> to vector<2048x1xi32>
      %eq3A_311 = vector.broadcast %slice3A_310 : vector<2048x1xi32> to vector<2048x16xi32>
      %eq3A_312 = vector.broadcast %iota3A_248 : vector<1x16xi32> to vector<2048x16xi32>
      %eq3A_313 = arith.cmpi eq, %eq3A_311, %eq3A_312 : vector<2048x16xi32>
      %jit3A_314 = arith.constant 0.000000e+00 : f32
      %broadcast_in_dim3A_315 = vector.broadcast %jit3A_314 : f32 to vector<2048x16xf32>
      %select_n3A_316 = arith.select %eq3A_313, %get3A_217, %broadcast_in_dim3A_315 : vector<2048x16xi1>, vector<2048x16xf32>
      %reduce_sum3A_317 = arith.constant dense<0.000000e+00> : vector<2048xf32>
      %reduce_sum3A_318 = vector.multi_reduction <add>, %select_n3A_316, %reduce_sum3A_317 [1] : vector<2048x16xf32> to vector<2048xf32>
      %broadcast_in_dim3A_319 = vector.shape_cast %reduce_sum3A_318 : vector<2048xf32> to vector<2048x1xf32>
      %slice3A_320 = vector.extract_strided_slice %get3A_251 {offsets = [0, 7], sizes = [2048, 1], strides = [1, 1]} : vector<2048x8xi32> to vector<2048x1xi32>
      %eq3A_321 = vector.broadcast %slice3A_320 : vector<2048x1xi32> to vector<2048x16xi32>
      %eq3A_322 = vector.broadcast %iota3A_248 : vector<1x16xi32> to vector<2048x16xi32>
      %eq3A_323 = arith.cmpi eq, %eq3A_321, %eq3A_322 : vector<2048x16xi32>
      %jit3A_324 = arith.constant 0.000000e+00 : f32
      %broadcast_in_dim3A_325 = vector.broadcast %jit3A_324 : f32 to vector<2048x16xf32>
      %select_n3A_326 = arith.select %eq3A_323, %get3A_217, %broadcast_in_dim3A_325 : vector<2048x16xi1>, vector<2048x16xf32>
      %reduce_sum3A_327 = arith.constant dense<0.000000e+00> : vector<2048xf32>
      %reduce_sum3A_328 = vector.multi_reduction <add>, %select_n3A_326, %reduce_sum3A_327 [1] : vector<2048x16xf32> to vector<2048xf32>
      %broadcast_in_dim3A_329 = vector.shape_cast %reduce_sum3A_328 : vector<2048xf32> to vector<2048x1xf32>
      %concatenate3A_330 = tpu.concatenate %broadcast_in_dim3A_259, %broadcast_in_dim3A_269, %broadcast_in_dim3A_279, %broadcast_in_dim3A_289, %broadcast_in_dim3A_299, %broadcast_in_dim3A_309, %broadcast_in_dim3A_319, %broadcast_in_dim3A_329 in 1 : vector<2048x1xf32>, vector<2048x1xf32>, vector<2048x1xf32>, vector<2048x1xf32>, vector<2048x1xf32>, vector<2048x1xf32>, vector<2048x1xf32>, vector<2048x1xf32> -> vector<2048x8xf32>
      %swap3A_331 = arith.constant 0 : index
      %swap3A_332 = arith.constant 0 : index
      %swap3A_333 = vector.load %arg14[%swap3A_331, %swap3A_332] : memref<2048x8xf32, #tpu.memory_space<vmem>>, vector<2048x8xf32>
      tpu.vector_store %arg14[%swap3A_331, %swap3A_332], %concatenate3A_330 {strides = array<i32>} : memref<2048x8xf32, #tpu.memory_space<vmem>>, vector<2048x8xf32>,
    } else {
    }
    return
  }
  func.func @transform_0(%arg0: i32) -> (i32, i32) {
    %c0_i32 = arith.constant 0 : i32
    %c0_i32_0 = arith.constant 0 : i32
    %c0_i32_1 = arith.constant 0 : i32
    return %c0_i32, %c0_i32_0 : i32, i32
  }
  func.func @transform_1(%arg0: i32) -> (i32, i32) {
    %c0_i32 = arith.constant 0 : i32
    %c0_i32_0 = arith.constant 0 : i32
    %c0_i32_1 = arith.constant 0 : i32
    return %c0_i32, %c0_i32_0 : i32, i32
  }
  func.func @transform_2(%arg0: i32) -> (i32, i32) {
    %c0_i32 = arith.constant 0 : i32
    %c0_i32_0 = arith.constant 0 : i32
    %c0_i32_1 = arith.constant 0 : i32
    return %c0_i32, %c0_i32_0 : i32, i32
  }
  func.func @transform_3(%arg0: i32) -> (i32, i32, i32) {
    %c0_i32 = arith.constant 0 : i32
    %c0_i32_0 = arith.constant 0 : i32
    %c0_i32_1 = arith.constant 0 : i32
    return %arg0, %c0_i32, %c0_i32_0 : i32, i32, i32
  }
  func.func @transform_4(%arg0: i32) -> (i32, i32, i32) {
    %c0_i32 = arith.constant 0 : i32
    %c0_i32_0 = arith.constant 0 : i32
    %c0_i32_1 = arith.constant 0 : i32
    return %arg0, %c0_i32, %c0_i32_0 : i32, i32, i32
  }
  func.func @transform_5(%arg0: i32) -> (i32, i32, i32) {
    %c0_i32 = arith.constant 0 : i32
    %c0_i32_0 = arith.constant 0 : i32
    %c0_i32_1 = arith.constant 0 : i32
    return %arg0, %c0_i32, %c0_i32_0 : i32, i32, i32
  }
  func.func @transform_6(%arg0: i32) -> (i32, i32, i32) {
    %c0_i32 = arith.constant 0 : i32
    %c0_i32_0 = arith.constant 0 : i32
    %c0_i32_1 = arith.constant 0 : i32
    return %arg0, %c0_i32, %c0_i32_0 : i32, i32, i32
  }
  func.func @transform_7(%arg0: i32) -> (i32, i32, i32) {
    %c0_i32 = arith.constant 0 : i32
    %c0_i32_0 = arith.constant 0 : i32
    %c0_i32_1 = arith.constant 0 : i32
    %c0_i32_2 = arith.constant 0 : i32
    return %c0_i32, %c0_i32_0, %c0_i32_1 : i32, i32, i32
  }
  func.func @transform_8(%arg0: i32) -> (i32, i32, i32) {
    %c0_i32 = arith.constant 0 : i32
    %c0_i32_0 = arith.constant 0 : i32
    %c0_i32_1 = arith.constant 0 : i32
    %c0_i32_2 = arith.constant 0 : i32
    return %c0_i32, %c0_i32_0, %c0_i32_1 : i32, i32, i32
  }
  func.func @transform_9(%arg0: i32) -> (i32, i32, i32) {
    %c0_i32 = arith.constant 0 : i32
    %c0_i32_0 = arith.constant 0 : i32
    %c0_i32_1 = arith.constant 0 : i32
    return %arg0, %c0_i32, %c0_i32_0 : i32, i32, i32
  }
  func.func @transform_10(%arg0: i32) -> (i32, i32, i32) {
    %c0_i32 = arith.constant 0 : i32
    %c0_i32_0 = arith.constant 0 : i32
    %c0_i32_1 = arith.constant 0 : i32
    return %arg0, %c0_i32, %c0_i32_0 : i32, i32, i32
  }
  func.func @transform_11(%arg0: i32) -> (i32, i32, i32) {
    %c0_i32 = arith.constant 0 : i32
    %c0_i32_0 = arith.constant 0 : i32
    %c0_i32_1 = arith.constant 0 : i32
    return %arg0, %c0_i32, %c0_i32_0 : i32, i32, i32
  }
  func.func @transform_12(%arg0: i32) -> (i32, i32) {
    %c0_i32 = arith.constant 0 : i32
    %c0_i32_0 = arith.constant 0 : i32
    %c0_i32_1 = arith.constant 0 : i32
    return %c0_i32, %c0_i32_0 : i32, i32
  }
  func.func @transform_13(%arg0: i32) -> (i32, i32) {
    %c0_i32 = arith.constant 0 : i32
    %c0_i32_0 = arith.constant 0 : i32
    %c0_i32_1 = arith.constant 0 : i32
    return %c0_i32, %c0_i32_0 : i32, i32
  }
}

</mosaic_0001>

<sc_bundles>
// kernel: kernel.5.cloned.1.call-start
scs
__scs_entry_jumppad:
0x0: {  	(pc) =	sbr.rel $0x88, $3  }
0x1: {  	(tag) =	ssettag $0x0;
	lr =	simm.s32 $0x1  }
0x2: {  	[smem:$0x3F92] =	sst lr;
	_ =	strace $0xD0000000  }
0x3: {  	_ = 	snop  }
0x4: {  	_ = 	snop  }
0x5: {  	_ = 	snop  }
0x6: {  	_ = 	snop  }
0x7: {  	_ = 	snop  }
__scs_overlays_trampoline_lowered:
0x8: {  	[smem:$0x3FA1] =	sst s0  }
0x9: {  	[smem:$0x3FA2] =	sst s1  }
0xa: {  	[smem:$0x3FA3] =	sst s2  }
0xb: {  	[smem:$0x3FA4] =	sst s3  }
0xc: {  	[smem:$0x3FA5] =	sst s4  }
0xd: {  	[smem:$0x3FA6] =	sst s5  }
0xe: {  	[smem:$0x3FA7] =	sst s6  }
0xf: {  	[smem:$0x3FA8] =	sst s7  }
0x10: {  	[smem:$0x3FA9] =	sst s8  }
0x11: {  	[smem:$0x3FAA] =	sst s9;
	s0 =	simm.s32 @!p0 $0x0  }
0x12: {  	s1 =	sld [smem:$0x3F90];
	s0 =	simm.s32 @p0 $0x1  }
0x13: {  	[smem:$0x3FAB] =	sst s0;
	s0 =	simm.s32 @!p1 $0x0  }
0x14: {  	s2 =	sld [smem:$0x3F8F];
	s0 =	simm.s32 @p1 $0x1  }
0x15: {  	[smem:$0x3FAC] =	sst s0;
	s0 =	simm.s32 @!p2 $0x0  }
0x16: {  	s3 =	sld [smem:$0x3FDB];
	s0 =	simm.s32 @p2 $0x1  }
0x17: {  	s4 =	simm.s32 $0x1BF5;
	[smem:$0x3FAE] =	sst s0  }
0x18: {  	s0 =	sld [smem:$0x3F91];
	_ =	swait.ge [sflag:s4], $0x0  }
0x19: {  	s7 =	sld [smem:$0x3F92]  }
0x1a: {  	s8 =	sadd.s32 $0xFFFFE003, lr  }
0x1b: {  	s9 =	sadd.s32 $0xFFFFFEF7, lr;
	s5 =	simm.s32 $0xFFFFFFFF;
	p2 =	slt.u32 s8, $0xFFFFF086  }
0x1c: {  	p1 =	slt.u32 s9, $0xF7A;
	s5 =	simm.s32 @!p2 $0x0  }
0x1d: {  	s5 =	simm.s32 @p1 $0x1;
	p0 =	seq.s32 s7, s2  }
0x1e: {  	s7 =	smul.u32 @!p0 $0xF7A, s2;
	p2 =	seq.s32 @!p0 s5, $0x0  }
0x1f: {  	s9 =	smul.u32 $0xF7A, s1;
	s8 =	simm.s32 @!p0 $0x1BF5;
	p2 =	por !p2, p0  }
0x20: {  	[sflag:s8] =	ssyncset.s32 @!p0 $0xFFFFF086;
	s6 =	sadd.s32 @!p0 s3, s7;
	s7 =	simm.s32 @!p0 $0x108  }
0x21: {  	s3 =	sadd.s32 s3, s9;
	s6 =	sadd.s32 @!p0 $0x88, s6;
	s7 =	simm.s32 @p2 $0x1082  }
0x22: {  	[simem:s7], [sflag:s8] =	dma.local @!p0 [hbm:s6], $0xF7A  }
0x23: {  	s9 =	sor.u32 $0xD0000000, s2;
	s6 =	simm.s32 $0x108;
	_ =	swait.ge @!p0 [sflag:s8], $0x0  }
0x24: {  	s3 =	sadd.s32 $0x88, s3;
	s6 =	simm.s32 @!p1 $0x1082;
	[sflag:s4] =	ssyncset.s32 $0xFFFFF086  }
0x25: {  	[simem:s6], [sflag:s4] =	dma.local [hbm:s3], $0xF7A  }
0x26: {  	[smem:$0x3F92] =	sst s1;
	(tag) =	ssettag s2;
	_ =	strace s9  }
0x27: {  	s1 =	sld [smem:$0x3FA2]  }
0x28: {  	s2 =	sld [smem:$0x3FA3]  }
0x29: {  	s4 =	sld [smem:$0x3FA5]  }
0x2a: {  	p0 =	seq.s32 s5, $0x0;
	s5 =	sld [smem:$0x3FA6]  }
0x2b: {  	s6 =	sld [smem:$0x3FA7]  }
0x2c: {  	s7 =	sld [smem:$0x3FA8]  }
0x2d: {  	s3 =	simm.s32 $0x108;
	s8 =	sld [smem:$0x3FA9]  }
0x2e: {  	s3 =	simm.s32 @!p0 $0x1082;
	s9 =	sld [smem:$0x3FAA]  }
0x2f: {  	lr =	sadd.s32 s0, s3;
	s0 =	sld [smem:$0x3FA1]  }
0x30: {  	s3 =	sld [smem:$0x3FA4]  }
0x31: {  	[smem:$0x3FAD] =	sst s10  }
0x32: {  	s10 =	sld [smem:$0x3FAB];
	_ =	sdelay $0x3  }
0x33: {  	p0 =	seq.s32 s10, $0x1;
	s10 =	sld [smem:$0x3FAD];
	_ =	sdelay $0x3  }
0x34: {  	[smem:$0x3FAD] =	sst s10  }
0x35: {  	s10 =	sld [smem:$0x3FAC];
	_ =	sdelay $0x3  }
0x36: {  	p1 =	seq.s32 s10, $0x1;
	s10 =	sld [smem:$0x3FAD];
	_ =	sdelay $0x3  }
0x37: {  	[smem:$0x3FAD] =	sst s10  }
0x38: {  	s10 =	sld [smem:$0x3FAE]  }
0x39: {  	_ = 	snop;
	(pc) =	sbr.ind lr, $3  }
0x3a: {  	_ = 	snop  }
0x3b: {  	_ = 	snop  }
0x3c: {  	p2 =	seq.s32 s10, $0x1;
	s10 =	sld [smem:$0x3FAD]  }
0x3d: {  	_ =	shalt  }
0x3e: {  	_ =	shalt  }
0x3f: {  	_ =	shalt  }
0x40: {  	_ =	shalt  }
0x41: {  	_ =	shalt  }
0x42: {  	_ =	shalt  }
0x43: {  	_ =	shalt  }
0x44: {  	_ =	shalt  }
0x45: {  	_ =	shalt  }
0x46: {  	_ =	shalt  }
0x47: {  	_ =	shalt  }
0x48: {  	_ =	shalt  }
0x49: {  	_ =	shalt  }
0x4a: {  	_ =	shalt  }
0x4b: {  	_ =	shalt  }
0x4c: {  	_ =	shalt  }
0x4d: {  	_ =	shalt  }
0x4e: {  	_ =	shalt  }
0x4f: {  	_ =	shalt  }
0x50: {  	_ =	shalt  }
0x51: {  	_ =	shalt  }
0x52: {  	_ =	shalt  }
0x53: {  	_ =	shalt  }
0x54: {  	_ =	shalt  }
0x55: {  	_ =	shalt  }
0x56: {  	_ =	shalt  }
0x57: {  	_ =	shalt  }
0x58: {  	_ =	shalt  }
0x59: {  	_ =	shalt  }
0x5a: {  	_ =	shalt  }
0x5b: {  	_ =	shalt  }
0x5c: {  	_ =	shalt  }
0x5d: {  	_ =	shalt  }
0x5e: {  	_ =	shalt  }
0x5f: {  	_ =	shalt  }
0x60: {  	_ =	shalt  }
0x61: {  	_ =	shalt  }
0x62: {  	_ =	shalt  }
0x63: {  	_ =	shalt  }
0x64: {  	_ =	shalt  }
0x65: {  	_ =	shalt  }
0x66: {  	_ =	shalt  }
0x67: {  	_ =	shalt  }
0x68: {  	_ =	shalt  }
0x69: {  	_ =	shalt  }
0x6a: {  	_ =	shalt  }
0x6b: {  	_ =	shalt  }
0x6c: {  	_ =	shalt  }
0x6d: {  	_ =	shalt  }
0x6e: {  	_ =	shalt  }
0x6f: {  	_ =	shalt  }
0x70: {  	_ =	shalt  }
0x71: {  	_ =	shalt  }
0x72: {  	_ =	shalt  }
0x73: {  	_ =	shalt  }
0x74: {  	_ =	shalt  }
0x75: {  	_ =	shalt  }
0x76: {  	_ =	shalt  }
0x77: {  	_ =	shalt  }
0x78: {  	_ =	shalt  }
0x79: {  	_ =	shalt  }
0x7a: {  	_ =	shalt  }
0x7b: {  	_ =	shalt  }
0x7c: {  	_ =	shalt  }
0x7d: {  	_ =	shalt  }
0x7e: {  	_ =	shalt  }
0x7f: {  	_ =	shalt  }
0x80: {  	_ =	shalt  }
0x81: {  	_ =	shalt  }
0x82: {  	_ =	shalt  }
0x83: {  	_ =	shalt  }
0x84: {  	_ =	shalt  }
0x85: {  	_ =	shalt  }
0x86: {  	_ =	shalt  }
0x87: {  	_ =	shalt  }
.Lfunc_end0:
.L_simem_size_0:
called_computation_lowered:
.L_overlay_start_0:
0x88: {  	s2 =	sld [smem:$0x3FD9]  }
0x89: {  	s3 =	sld [smem:$0x3FFE];
	_ =	sdelay $0x1  }
0x8a: {  	s1 =	srdreg.scid  }
0x8b: {  	s0 =	sand.u32 $0x1, s1  }
0x8c: {  	s14 =	sshll.u32 s0, $0xA;
	s2 =	sadd.s32 s3, s2  }
0x8d: {  	s2 =	sadd.s32 s2, s14  }
0x8e: {  	[smem:$0x3FB9] =	sst s2  }
0x8f: {  	_ = 	snop  }
0x90: {  	s2 =	sld [smem:$0x3FD0];
	_ =	sdelay $0x2  }
0x91: {  	s15 =	simm.s32 $0xA;
	s4 =	simm.s32 $0x10  }
0x92: {  	[smem:s4], [sflag:s15] =	dma.local [hbm:s2], $0x1  }
0x93: {  	_ =	swait.eq [sflag:s15], $0x1  }
0x94: {  	[sflag:s15] =	ssyncset.done $0x0  }
0x95: {  	[sflag:s15] =	ssyncadd.s32 $0xFFFFFFFF  }
0x96: {  	s16 =	sld [smem:$0x10];
	(tm) =	ssettm $0x1  }
0x97: {  	s17 =	sld [smem:$0x3FFB];
	_ =	sdelay $0x3  }
0x98: {  	_ =	strace s17  }
0x99: {  	s3 =	sld [smem:$0x3FFC];
	_ =	sdelay $0x3  }
0x9a: {  	_ =	strace s3  }
0x9b: {  	s3 =	sld [smem:$0x3FFD];
	_ =	sdelay $0x3  }
0x9c: {  	_ =	strace s3  }
0x9d: {  	_ =	strace $0x8FFFFFFF  }
0x9e: {  	s18 =	sld [smem:$0x3FDB];
	_ =	sdelay $0x1  }
0x9f: {  	s19 =	simm.s32 $_scs_section_size  }
0xa0: {  	s5 =	simm.s32 $_size__tile_overlayer_lowered;
	s6 =	simm.s32 $_tile_overlayer_lowered  }
0xa1: {  	s22 =	simm.s32 $0x1BFF;
	s21 =	sshll.u32 s6, $0x1;
	s3 =	sadd.s32 s19, s18  }
0xa2: {  	s7 =	simm.s32 $0x0;
	s20 =	sshll.u32 s5, $0x1;
	s5 =	sadd.s32 s21, s3  }
0xa3: {  	[timem:s7], [sflag:s22] =	dma.local [hbm:s5], s20  }
0xa4: {  	_ =	swait.ge [sflag:s22], s20  }
0xa5: {  	s4 =	ssub.s32 $0x0, s20;
	[sflag:s22] =	ssyncset.done $0x0  }
0xa6: {  	[sflag:s22] =	ssyncadd.s32 s4;
	_ =	sdelay $0x1  }
0xa7: {  	s23 =	simm.s32 $0x1B8B  }
0xa8: {  	_ =	swait.ge [sflag:s23], $0x1  }
0xa9: {  	[sflag:s23] =	ssyncset.done $0x0  }
0xaa: {  	s25 =	simm.s32 $0x1B8E;
	s24 =	sld [smem:$0x3FFE];
	[sflag:s23] =	ssyncadd.s32 $0xFFFFFFFF  }
0xab: {  	s26 =	simm.s32 $execute0_lowered;
	[smem:$0x3FD2] =	sst s25  }
0xac: {  	s5 =	sshll.u32 s26, $0x1;
	_ =	strace $0x80000046;
	[dreg:$0x1] =	wrdreg $0xFFFFFFFF  }
0xad: {  	s28 =	simm.s32 $_size_execute0_lowered;
	s3 =	sadd.s32 s3, s5;
	[dreg:$0x0] =	wrdreg $0x0  }
0xae: {  	s5 =	sshll.u32 s28, $0x1;
	[dreg:$0x2] =	wrdreg s3  }
0xaf: {  	[dreg:$0x3] =	wrdreg s5  }
0xb0: {  	[dreg:$0x4] =	wrdreg $0xC0  }
0xb1: {  	_ =	task [dreg:s7], $0x5FFFF  }
0xb2: {  	[dreg:$0x1] =	wrdreg $0xFFFFFFFF  }
0xb3: {  	[dreg:$0x0] =	wrdreg $0x60  }
0xb4: {  	[dreg:$0x2] =	wrdreg s16  }
0xb5: {  	[dreg:$0x3] =	wrdreg s24  }
0xb6: {  	[dreg:$0x4] =	wrdreg $0x9  }
0xb7: {  	_ =	task.clear_ibuf [dreg:s7], $0x5FFFF;
	_ =	strace $0x90000046  }
0xb8: {  	s29 =	simm.s32 $0x9;
	_ =	strace $0x80000048  }
0xb9: {  	_ =	swait.ge [sflag:s29], $0x1  }
0xba: {  	[sflag:s29] =	ssyncadd.s32 $0xFFFFFFFF  }
0xbb: {  	_ =	strace $0x90000048  }
0xbc: {  	_ =	sfence  }
0xbd: {  	s30 =	sld [smem:$0x0];
	_ =	sdelay $0x2  }
0xbe: {  	s31 =	sshll.u32 s1, $0xD;
	s1 =	sshrl.u32 s1, $0x2  }
0xbf: {  	s3 =	sand.u32 $0x4000, s31;
	s1 =	sadd.s32 s1, s30  }
0xc0: {  	s0 =	sor.u32 s3, s0;
	s1 =	sshll.u32 s1, $0x11  }
0xc1: {  	s0 =	sor.u32 s1, s0  }
0xc2: {  	s0 =	sadd.s32 $0x8F2B, s0  }
0xc3: {  	[sflag:s0] =	ssyncadd.remote.s32 $0x1  }
0xc4: {  	_ =	sfence.sel $0xFFFF  }
0xc5: {  	[dreg:$0x0] =	wrdreg $0xFFFFFFFF;
	(pc) =	sbr.abs _section_cstart, $3  }
0xc6: {  	[dreg:$0x1] =	wrdreg $0xFFFFFFFF  }
0xc7: {  	_ =	task.clear_ibuf [dreg:s7], $0x2FFFF;
	_ =	strace $0x9FFFFFFF  }
0xc8: {  	(tm) =	ssettm $0x7FFFFFFF  }
0xc9: {  	_ =	shalt  }
tec
execute0_lowered:
.L_overlay_start_1:
0x0: {  	(tag) =	ssettag $0x1  }
0x1: {  	s3 =	rddreg [dreg:$0x0]  }
0x2: {  	s4 =	rddreg [dreg:$0x1]  }
0x3: {  	s0 =	rddreg [dreg:$0x2];
	s2 =	simm.s32 $0x0;
	s5 =	srdreg.scid  }
0x4: {  	s1 =	stileid.u32;
	s9 =	simm.s32 $0x2000;
	s5 =	sand.u32 $0x1, s5  }
0x5: {  	s6 =	sshll.u32 s1, $0xB;
	s7 =	sshll.u32 s5, $0xA;
	s5 =	ssub.s32 $0x2, s5  }
0x6: {  	[smem:$0x7FF] =	sst s2;
	s6 =	sor.u32 s7, s6;
	s31 =	sshrl.u32 s5, $0x1  }
0x7: {  	_ =	strace $0x80000047;
	s8 =	sadd.s32 s6, s4;
	s7 =	ssub.s32 s5, s31  }
0x8: {  	s3 =	sadd.s32 s3, s6;
	s4 =	sadd.s32 $0x1E00, s8;
	s5 =	sadd.s32 $0x9E00, s8  }
0x9: {  	v0 =	vlaneseq.u32;
	vm0 =	vmmov $0xff;
	s6 =	smax.u32 s7, $0x1;
	s7 =	simm.s32 $0x1;
	s8 =	simm.s32 $0x4000  }
.LBB2_1:
0xa: {  	[tilespmem:s2], [sflag:$0x1] =	stream.linear.gather [hbm4b:s3+s2], $0x2000, $0x38;
	[tilespmem:$0x6000] =	vst v63  }
0xb: {  	_ =	swait.ge [sflag:s7], $0x2000  }
0xc: {  	[sflag:s7] =	ssyncset.done $0x0  }
0xd: {  	[sflag:s7] =	ssyncadd.s32 $0xFFFFE000  }
0xe: {  	v1 =	vld [tilespmem:$0x0];
	_ =	sdelay $0x4  }
0xf: {  	(xrf1) =	vsort.dscd.msk.f32 $0xffff, v1, v0;
	_ =	sdelay $0xd  }
0x10: {  	v1, v2, _ =	vpop (xrf1);
	_ =	sdelay $0x2  }
0x11: {  	[tilespmem:$0x2000] =	vst v2;
	v1 =	vnsel vm0, $0x0, v1  }
0x12: {  	[tilespmem:v2+s8+$0x0] =	vst.idx.msk $0xffff, v1  }
0x13: {  	v1 =	vld [tilespmem:$0x80];
	_ =	sdelay $0x4  }
0x14: {  	(xrf1) =	vsort.dscd.msk.f32 $0xffff, v1, v0;
	_ =	sdelay $0xd  }
0x15: {  	v1, v2, _ =	vpop (xrf1)  }
0x16: {  	v3 =	vadd.s32 $0x80, v2;
	_ =	sdelay $0x3  }
0x17: {  	[tilespmem:$0x2080] =	vst v2;
	v1 =	vnsel vm0, $0x0, v1  }
0x18: {  	[tilespmem:v3+s8+$0x0] =	vst.idx.msk $0xffff, v1  }
0x19: {  	v1 =	vld [tilespmem:$0x100];
	_ =	sdelay $0x4  }
0x1a: {  	(xrf1) =	vsort.dscd.msk.f32 $0xffff, v1, v0;
	_ =	sdelay $0xd  }
0x1b: {  	v1, v2, _ =	vpop (xrf1)  }
0x1c: {  	v3 =	vadd.s32 $0x100, v2;
	_ =	sdelay $0x3  }
0x1d: {  	[tilespmem:$0x2100] =	vst v2;
	v1 =	vnsel vm0, $0x0, v1  }
0x1e: {  	[tilespmem:v3+s8+$0x0] =	vst.idx.msk $0xffff, v1  }
0x1f: {  	v1 =	vld [tilespmem:$0x180];
	_ =	sdelay $0x4  }
0x20: {  	(xrf1) =	vsort.dscd.msk.f32 $0xffff, v1, v0;
	_ =	sdelay $0xd  }
0x21: {  	v1, v2, _ =	vpop (xrf1)  }
0x22: {  	v3 =	vadd.s32 $0x180, v2;
	_ =	sdelay $0x3  }
0x23: {  	[tilespmem:$0x2180] =	vst v2;
	v1 =	vnsel vm0, $0x0, v1  }
0x24: {  	[tilespmem:v3+s8+$0x0] =	vst.idx.msk $0xffff, v1  }
0x25: {  	v1 =	vld [tilespmem:$0x200];
	_ =	sdelay $0x4  }
0x26: {  	(xrf1) =	vsort.dscd.msk.f32 $0xffff, v1, v0;
	_ =	sdelay $0xd  }
0x27: {  	v1, v2, _ =	vpop (xrf1)  }
0x28: {  	v3 =	vadd.s32 $0x200, v2;
	_ =	sdelay $0x3  }
0x29: {  	[tilespmem:$0x2200] =	vst v2;
	v1 =	vnsel vm0, $0x0, v1  }
0x2a: {  	[tilespmem:v3+s8+$0x0] =	vst.idx.msk $0xffff, v1  }
0x2b: {  	v1 =	vld [tilespmem:$0x280];
	_ =	sdelay $0x4  }
0x2c: {  	(xrf1) =	vsort.dscd.msk.f32 $0xffff, v1, v0;
	_ =	sdelay $0xd  }
0x2d: {  	v1, v2, _ =	vpop (xrf1)  }
0x2e: {  	v3 =	vadd.s32 $0x280, v2;
	_ =	sdelay $0x3  }
0x2f: {  	[tilespmem:$0x2280] =	vst v2;
	v1 =	vnsel vm0, $0x0, v1  }
0x30: {  	[tilespmem:v3+s8+$0x0] =	vst.idx.msk $0xffff, v1  }
0x31: {  	v1 =	vld [tilespmem:$0x300];
	_ =	sdelay $0x4  }
0x32: {  	(xrf1) =	vsort.dscd.msk.f32 $0xffff, v1, v0;
	_ =	sdelay $0xd  }
0x33: {  	v1, v2, _ =	vpop (xrf1)  }
0x34: {  	v3 =	vadd.s32 $0x300, v2;
	_ =	sdelay $0x3  }
0x35: {  	[tilespmem:$0x2300] =	vst v2;
	v1 =	vnsel vm0, $0x0, v1  }
0x36: {  	[tilespmem:v3+s8+$0x0] =	vst.idx.msk $0xffff, v1  }
0x37: {  	v1 =	vld [tilespmem:$0x380];
	_ =	sdelay $0x4  }
0x38: {  	(xrf1) =	vsort.dscd.msk.f32 $0xffff, v1, v0;
	_ =	sdelay $0xd  }
0x39: {  	v1, v2, _ =	vpop (xrf1)  }
0x3a: {  	v3 =	vadd.s32 $0x380, v2;
	_ =	sdelay $0x3  }
0x3b: {  	[tilespmem:$0x2380] =	vst v2;
	v1 =	vnsel vm0, $0x0, v1  }
0x3c: {  	[tilespmem:v3+s8+$0x0] =	vst.idx.msk $0xffff, v1  }
0x3d: {  	v1 =	vld [tilespmem:$0x400];
	_ =	sdelay $0x4  }
0x3e: {  	(xrf1) =	vsort.dscd.msk.f32 $0xffff, v1, v0;
	_ =	sdelay $0xd  }
0x3f: {  	v1, v2, _ =	vpop (xrf1)  }
0x40: {  	v3 =	vadd.s32 $0x400, v2;
	_ =	sdelay $0x3  }
0x41: {  	[tilespmem:$0x2400] =	vst v2;
	v1 =	vnsel vm0, $0x0, v1  }
0x42: {  	[tilespmem:v3+s8+$0x0] =	vst.idx.msk $0xffff, v1  }
0x43: {  	v1 =	vld [tilespmem:$0x480];
	_ =	sdelay $0x4  }
0x44: {  	(xrf1) =	vsort.dscd.msk.f32 $0xffff, v1, v0;
	_ =	sdelay $0xd  }
0x45: {  	v1, v2, _ =	vpop (xrf1)  }
0x46: {  	v3 =	vadd.s32 $0x480, v2;
	_ =	sdelay $0x3  }
0x47: {  	[tilespmem:$0x2480] =	vst v2;
	v1 =	vnsel vm0, $0x0, v1  }
0x48: {  	[tilespmem:v3+s8+$0x0] =	vst.idx.msk $0xffff, v1  }
0x49: {  	v1 =	vld [tilespmem:$0x500];
	_ =	sdelay $0x4  }
0x4a: {  	(xrf1) =	vsort.dscd.msk.f32 $0xffff, v1, v0;
	_ =	sdelay $0xd  }
0x4b: {  	v1, v2, _ =	vpop (xrf1)  }
0x4c: {  	v3 =	vadd.s32 $0x500, v2;
	_ =	sdelay $0x3  }
0x4d: {  	[tilespmem:$0x2500] =	vst v2;
	v1 =	vnsel vm0, $0x0, v1  }
0x4e: {  	[tilespmem:v3+s8+$0x0] =	vst.idx.msk $0xffff, v1  }
0x4f: {  	v1 =	vld [tilespmem:$0x580];
	_ =	sdelay $0x4  }
0x50: {  	(xrf1) =	vsort.dscd.msk.f32 $0xffff, v1, v0;
	_ =	sdelay $0xd  }
0x51: {  	v1, v2, _ =	vpop (xrf1)  }
0x52: {  	v3 =	vadd.s32 $0x580, v2;
	_ =	sdelay $0x3  }
0x53: {  	[tilespmem:$0x2580] =	vst v2;
	v1 =	vnsel vm0, $0x0, v1  }
0x54: {  	[tilespmem:v3+s8+$0x0] =	vst.idx.msk $0xffff, v1  }
0x55: {  	v1 =	vld [tilespmem:$0x600];
	_ =	sdelay $0x4  }
0x56: {  	(xrf1) =	vsort.dscd.msk.f32 $0xffff, v1, v0;
	_ =	sdelay $0xd  }
0x57: {  	v1, v2, _ =	vpop (xrf1)  }
0x58: {  	v3 =	vadd.s32 $0x600, v2;
	_ =	sdelay $0x3  }
0x59: {  	[tilespmem:$0x2600] =	vst v2;
	v1 =	vnsel vm0, $0x0, v1  }
0x5a: {  	[tilespmem:v3+s8+$0x0] =	vst.idx.msk $0xffff, v1  }
0x5b: {  	v1 =	vld [tilespmem:$0x680];
	_ =	sdelay $0x4  }
0x5c: {  	(xrf1) =	vsort.dscd.msk.f32 $0xffff, v1, v0;
	_ =	sdelay $0xd  }
0x5d: {  	v1, v2, _ =	vpop (xrf1)  }
0x5e: {  	v3 =	vadd.s32 $0x680, v2;
	_ =	sdelay $0x3  }
0x5f: {  	[tilespmem:$0x2680] =	vst v2;
	v1 =	vnsel vm0, $0x0, v1  }
0x60: {  	[tilespmem:v3+s8+$0x0] =	vst.idx.msk $0xffff, v1  }
0x61: {  	v1 =	vld [tilespmem:$0x700];
	_ =	sdelay $0x4  }
0x62: {  	(xrf1) =	vsort.dscd.msk.f32 $0xffff, v1, v0;
	_ =	sdelay $0xd  }
0x63: {  	v1, v2, _ =	vpop (xrf1)  }
0x64: {  	v3 =	vadd.s32 $0x700, v2;
	_ =	sdelay $0x3  }
0x65: {  	[tilespmem:$0x2700] =	vst v2;
	v1 =	vnsel vm0, $0x0, v1  }
0x66: {  	[tilespmem:v3+s8+$0x0] =	vst.idx.msk $0xffff, v1  }
0x67: {  	v1 =	vld [tilespmem:$0x780];
	_ =	sdelay $0x4  }
0x68: {  	(xrf1) =	vsort.dscd.msk.f32 $0xffff, v1, v0;
	_ =	sdelay $0xd  }
0x69: {  	v1, v2, _ =	vpop (xrf1)  }
0x6a: {  	v3 =	vadd.s32 $0x780, v2;
	_ =	sdelay $0x3  }
0x6b: {  	[tilespmem:$0x2780] =	vst v2;
	v1 =	vnsel vm0, $0x0, v1  }
0x6c: {  	[tilespmem:v3+s8+$0x0] =	vst.idx.msk $0xffff, v1  }
0x6d: {  	v1 =	vld [tilespmem:$0x800];
	_ =	sdelay $0x4  }
0x6e: {  	(xrf1) =	vsort.dscd.msk.f32 $0xffff, v1, v0;
	_ =	sdelay $0xd  }
0x6f: {  	v1, v2, _ =	vpop (xrf1)  }
0x70: {  	v3 =	vadd.s32 $0x800, v2;
	_ =	sdelay $0x3  }
0x71: {  	[tilespmem:$0x2800] =	vst v2;
	v1 =	vnsel vm0, $0x0, v1  }
0x72: {  	[tilespmem:v3+s8+$0x0] =	vst.idx.msk $0xffff, v1  }
0x73: {  	v1 =	vld [tilespmem:$0x880];
	_ =	sdelay $0x4  }
0x74: {  	(xrf1) =	vsort.dscd.msk.f32 $0xffff, v1, v0;
	_ =	sdelay $0xd  }
0x75: {  	v1, v2, _ =	vpop (xrf1)  }
0x76: {  	v3 =	vadd.s32 $0x880, v2;
	_ =	sdelay $0x3  }
0x77: {  	[tilespmem:$0x2880] =	vst v2;
	v1 =	vnsel vm0, $0x0, v1  }
0x78: {  	[tilespmem:v3+s8+$0x0] =	vst.idx.msk $0xffff, v1  }
0x79: {  	v1 =	vld [tilespmem:$0x900];
	_ =	sdelay $0x4  }
0x7a: {  	(xrf1) =	vsort.dscd.msk.f32 $0xffff, v1, v0;
	_ =	sdelay $0xd  }
0x7b: {  	v1, v2, _ =	vpop (xrf1)  }
0x7c: {  	v3 =	vadd.s32 $0x900, v2;
	_ =	sdelay $0x3  }
0x7d: {  	[tilespmem:$0x2900] =	vst v2;
	v1 =	vnsel vm0, $0x0, v1  }
0x7e: {  	[tilespmem:v3+s8+$0x0] =	vst.idx.msk $0xffff, v1  }
0x7f: {  	v1 =	vld [tilespmem:$0x980];
	_ =	sdelay $0x4  }
0x80: {  	(xrf1) =	vsort.dscd.msk.f32 $0xffff, v1, v0;
	_ =	sdelay $0xd  }
0x81: {  	v1, v2, _ =	vpop (xrf1)  }
0x82: {  	v3 =	vadd.s32 $0x980, v2;
	_ =	sdelay $0x3  }
0x83: {  	[tilespmem:$0x2980] =	vst v2;
	v1 =	vnsel vm0, $0x0, v1  }
0x84: {  	[tilespmem:v3+s8+$0x0] =	vst.idx.msk $0xffff, v1  }
0x85: {  	v1 =	vld [tilespmem:$0xA00];
	_ =	sdelay $0x4  }
0x86: {  	(xrf1) =	vsort.dscd.msk.f32 $0xffff, v1, v0;
	_ =	sdelay $0xd  }
0x87: {  	v1, v2, _ =	vpop (xrf1)  }
0x88: {  	v3 =	vadd.s32 $0xA00, v2;
	_ =	sdelay $0x3  }
0x89: {  	[tilespmem:$0x2A00] =	vst v2;
	v1 =	vnsel vm0, $0x0, v1  }
0x8a: {  	[tilespmem:v3+s8+$0x0] =	vst.idx.msk $0xffff, v1  }
0x8b: {  	v1 =	vld [tilespmem:$0xA80];
	_ =	sdelay $0x4  }
0x8c: {  	(xrf1) =	vsort.dscd.msk.f32 $0xffff, v1, v0;
	_ =	sdelay $0xd  }
0x8d: {  	v1, v2, _ =	vpop (xrf1)  }
0x8e: {  	v3 =	vadd.s32 $0xA80, v2;
	_ =	sdelay $0x3  }
0x8f: {  	[tilespmem:$0x2A80] =	vst v2;
	v1 =	vnsel vm0, $0x0, v1  }
0x90: {  	[tilespmem:v3+s8+$0x0] =	vst.idx.msk $0xffff, v1  }
0x91: {  	v1 =	vld [tilespmem:$0xB00];
	_ =	sdelay $0x4  }
0x92: {  	(xrf1) =	vsort.dscd.msk.f32 $0xffff, v1, v0;
	_ =	sdelay $0xd  }
0x93: {  	v1, v2, _ =	vpop (xrf1)  }
0x94: {  	v3 =	vadd.s32 $0xB00, v2;
	_ =	sdelay $0x3  }
0x95: {  	[tilespmem:$0x2B00] =	vst v2;
	v1 =	vnsel vm0, $0x0, v1  }
0x96: {  	[tilespmem:v3+s8+$0x0] =	vst.idx.msk $0xffff, v1  }
0x97: {  	v1 =	vld [tilespmem:$0xB80];
	_ =	sdelay $0x4  }
0x98: {  	(xrf1) =	vsort.dscd.msk.f32 $0xffff, v1, v0;
	_ =	sdelay $0xd  }
0x99: {  	v1, v2, _ =	vpop (xrf1)  }
0x9a: {  	v3 =	vadd.s32 $0xB80, v2;
	_ =	sdelay $0x3  }
0x9b: {  	[tilespmem:$0x2B80] =	vst v2;
	v1 =	vnsel vm0, $0x0, v1  }
0x9c: {  	[tilespmem:v3+s8+$0x0] =	vst.idx.msk $0xffff, v1  }
0x9d: {  	v1 =	vld [tilespmem:$0xC00];
	_ =	sdelay $0x4  }
0x9e: {  	(xrf1) =	vsort.dscd.msk.f32 $0xffff, v1, v0;
	_ =	sdelay $0xd  }
0x9f: {  	v1, v2, _ =	vpop (xrf1)  }
0xa0: {  	v3 =	vadd.s32 $0xC00, v2;
	_ =	sdelay $0x3  }
0xa1: {  	[tilespmem:$0x2C00] =	vst v2;
	v1 =	vnsel vm0, $0x0, v1  }
0xa2: {  	[tilespmem:v3+s8+$0x0] =	vst.idx.msk $0xffff, v1  }
0xa3: {  	v1 =	vld [tilespmem:$0xC80];
	_ =	sdelay $0x4  }
0xa4: {  	(xrf1) =	vsort.dscd.msk.f32 $0xffff, v1, v0;
	_ =	sdelay $0xd  }
0xa5: {  	v1, v2, _ =	vpop (xrf1)  }
0xa6: {  	v3 =	vadd.s32 $0xC80, v2;
	_ =	sdelay $0x3  }
0xa7: {  	[tilespmem:$0x2C80] =	vst v2;
	v1 =	vnsel vm0, $0x0, v1  }
0xa8: {  	[tilespmem:v3+s8+$0x0] =	vst.idx.msk $0xffff, v1  }
0xa9: {  	v1 =	vld [tilespmem:$0xD00];
	_ =	sdelay $0x4  }
0xaa: {  	(xrf1) =	vsort.dscd.msk.f32 $0xffff, v1, v0;
	_ =	sdelay $0xd  }
0xab: {  	v1, v2, _ =	vpop (xrf1)  }
0xac: {  	v3 =	vadd.s32 $0xD00, v2;
	_ =	sdelay $0x3  }
0xad: {  	[tilespmem:$0x2D00] =	vst v2;
	v1 =	vnsel vm0, $0x0, v1  }
0xae: {  	[tilespmem:v3+s8+$0x0] =	vst.idx.msk $0xffff, v1  }
0xaf: {  	v1 =	vld [tilespmem:$0xD80];
	_ =	sdelay $0x4  }
0xb0: {  	(xrf1) =	vsort.dscd.msk.f32 $0xffff, v1, v0;
	_ =	sdelay $0xd  }
0xb1: {  	v1, v2, _ =	vpop (xrf1)  }
0xb2: {  	v3 =	vadd.s32 $0xD80, v2;
	_ =	sdelay $0x3  }
0xb3: {  	[tilespmem:$0x2D80] =	vst v2;
	v1 =	vnsel vm0, $0x0, v1  }
0xb4: {  	[tilespmem:v3+s8+$0x0] =	vst.idx.msk $0xffff, v1  }
0xb5: {  	v1 =	vld [tilespmem:$0xE00];
	_ =	sdelay $0x4  }
0xb6: {  	(xrf1) =	vsort.dscd.msk.f32 $0xffff, v1, v0;
	_ =	sdelay $0xd  }
0xb7: {  	v1, v2, _ =	vpop (xrf1)  }
0xb8: {  	v3 =	vadd.s32 $0xE00, v2;
	_ =	sdelay $0x3  }
0xb9: {  	[tilespmem:$0x2E00] =	vst v2;
	v1 =	vnsel vm0, $0x0, v1  }
0xba: {  	[tilespmem:v3+s8+$0x0] =	vst.idx.msk $0xffff, v1  }
0xbb: {  	v1 =	vld [tilespmem:$0xE80];
	_ =	sdelay $0x4  }
0xbc: {  	(xrf1) =	vsort.dscd.msk.f32 $0xffff, v1, v0;
	_ =	sdelay $0xd  }
0xbd: {  	v1, v2, _ =	vpop (xrf1)  }
0xbe: {  	v3 =	vadd.s32 $0xE80, v2;
	_ =	sdelay $0x3  }
0xbf: {  	[tilespmem:$0x2E80] =	vst v2;
	v1 =	vnsel vm0, $0x0, v1  }
0xc0: {  	[tilespmem:v3+s8+$0x0] =	vst.idx.msk $0xffff, v1  }
0xc1: {  	v1 =	vld [tilespmem:$0xF00];
	_ =	sdelay $0x4  }
0xc2: {  	(xrf1) =	vsort.dscd.msk.f32 $0xffff, v1, v0;
	_ =	sdelay $0xd  }
0xc3: {  	v1, v2, _ =	vpop (xrf1)  }
0xc4: {  	v3 =	vadd.s32 $0xF00, v2;
	_ =	sdelay $0x3  }
0xc5: {  	[tilespmem:$0x2F00] =	vst v2;
	v1 =	vnsel vm0, $0x0, v1  }
0xc6: {  	[tilespmem:v3+s8+$0x0] =	vst.idx.msk $0xffff, v1  }
0xc7: {  	v1 =	vld [tilespmem:$0xF80];
	_ =	sdelay $0x4  }
0xc8: {  	(xrf1) =	vsort.dscd.msk.f32 $0xffff, v1, v0;
	_ =	sdelay $0xd  }
0xc9: {  	v1, v2, _ =	vpop (xrf1)  }
0xca: {  	v3 =	vadd.s32 $0xF80, v2;
	_ =	sdelay $0x3  }
0xcb: {  	[tilespmem:$0x2F80] =	vst v2;
	v1 =	vnsel vm0, $0x0, v1  }
0xcc: {  	[tilespmem:v3+s8+$0x0] =	vst.idx.msk $0xffff, v1  }
0xcd: {  	v1 =	vld [tilespmem:$0x1000];
	_ =	sdelay $0x4  }
0xce: {  	(xrf1) =	vsort.dscd.msk.f32 $0xffff, v1, v0;
	_ =	sdelay $0xd  }
0xcf: {  	v1, v2, _ =	vpop (xrf1)  }
0xd0: {  	v3 =	vadd.s32 $0x1000, v2;
	_ =	sdelay $0x3  }
0xd1: {  	[tilespmem:$0x3000] =	vst v2;
	v1 =	vnsel vm0, $0x0, v1  }
0xd2: {  	[tilespmem:v3+s8+$0x0] =	vst.idx.msk $0xffff, v1  }
0xd3: {  	v1 =	vld [tilespmem:$0x1080];
	_ =	sdelay $0x4  }
0xd4: {  	(xrf1) =	vsort.dscd.msk.f32 $0xffff, v1, v0;
	_ =	sdelay $0xd  }
0xd5: {  	v1, v2, _ =	vpop (xrf1)  }
0xd6: {  	v3 =	vadd.s32 $0x1080, v2;
	_ =	sdelay $0x3  }
0xd7: {  	[tilespmem:$0x3080] =	vst v2;
	v1 =	vnsel vm0, $0x0, v1  }
0xd8: {  	[tilespmem:v3+s8+$0x0] =	vst.idx.msk $0xffff, v1  }
0xd9: {  	v1 =	vld [tilespmem:$0x1100];
	_ =	sdelay $0x4  }
0xda: {  	(xrf1) =	vsort.dscd.msk.f32 $0xffff, v1, v0;
	_ =	sdelay $0xd  }
0xdb: {  	v1, v2, _ =	vpop (xrf1)  }
0xdc: {  	v3 =	vadd.s32 $0x1100, v2;
	_ =	sdelay $0x3  }
0xdd: {  	[tilespmem:$0x3100] =	vst v2;
	v1 =	vnsel vm0, $0x0, v1  }
0xde: {  	[tilespmem:v3+s8+$0x0] =	vst.idx.msk $0xffff, v1  }
0xdf: {  	v1 =	vld [tilespmem:$0x1180];
	_ =	sdelay $0x4  }
0xe0: {  	(xrf1) =	vsort.dscd.msk.f32 $0xffff, v1, v0;
	_ =	sdelay $0xd  }
0xe1: {  	v1, v2, _ =	vpop (xrf1)  }
0xe2: {  	v3 =	vadd.s32 $0x1180, v2;
	_ =	sdelay $0x3  }
0xe3: {  	[tilespmem:$0x3180] =	vst v2;
	v1 =	vnsel vm0, $0x0, v1  }
0xe4: {  	[tilespmem:v3+s8+$0x0] =	vst.idx.msk $0xffff, v1  }
0xe5: {  	v1 =	vld [tilespmem:$0x1200];
	_ =	sdelay $0x4  }
0xe6: {  	(xrf1) =	vsort.dscd.msk.f32 $0xffff, v1, v0;
	_ =	sdelay $0xd  }
0xe7: {  	v1, v2, _ =	vpop (xrf1)  }
0xe8: {  	v3 =	vadd.s32 $0x1200, v2;
	_ =	sdelay $0x3  }
0xe9: {  	[tilespmem:$0x3200] =	vst v2;
	v1 =	vnsel vm0, $0x0, v1  }
0xea: {  	[tilespmem:v3+s8+$0x0] =	vst.idx.msk $0xffff, v1  }
0xeb: {  	v1 =	vld [tilespmem:$0x1280];
	_ =	sdelay $0x4  }
0xec: {  	(xrf1) =	vsort.dscd.msk.f32 $0xffff, v1, v0;
	_ =	sdelay $0xd  }
0xed: {  	v1, v2, _ =	vpop (xrf1)  }
0xee: {  	v3 =	vadd.s32 $0x1280, v2;
	_ =	sdelay $0x3  }
0xef: {  	[tilespmem:$0x3280] =	vst v2;
	v1 =	vnsel vm0, $0x0, v1  }
0xf0: {  	[tilespmem:v3+s8+$0x0] =	vst.idx.msk $0xffff, v1  }
0xf1: {  	v1 =	vld [tilespmem:$0x1300];
	_ =	sdelay $0x4  }
0xf2: {  	(xrf1) =	vsort.dscd.msk.f32 $0xffff, v1, v0;
	_ =	sdelay $0xd  }
0xf3: {  	v1, v2, _ =	vpop (xrf1)  }
0xf4: {  	v3 =	vadd.s32 $0x1300, v2;
	_ =	sdelay $0x3  }
0xf5: {  	[tilespmem:$0x3300] =	vst v2;
	v1 =	vnsel vm0, $0x0, v1  }
0xf6: {  	[tilespmem:v3+s8+$0x0] =	vst.idx.msk $0xffff, v1  }
0xf7: {  	v1 =	vld [tilespmem:$0x1380];
	_ =	sdelay $0x4  }
0xf8: {  	(xrf1) =	vsort.dscd.msk.f32 $0xffff, v1, v0;
	_ =	sdelay $0xd  }
0xf9: {  	v1, v2, _ =	vpop (xrf1)  }
0xfa: {  	v3 =	vadd.s32 $0x1380, v2;
	_ =	sdelay $0x3  }
0xfb: {  	[tilespmem:$0x3380] =	vst v2;
	v1 =	vnsel vm0, $0x0, v1  }
0xfc: {  	[tilespmem:v3+s8+$0x0] =	vst.idx.msk $0xffff, v1  }
0xfd: {  	v1 =	vld [tilespmem:$0x1400];
	_ =	sdelay $0x4  }
0xfe: {  	(xrf1) =	vsort.dscd.msk.f32 $0xffff, v1, v0;
	_ =	sdelay $0xd  }
0xff: {  	v1, v2, _ =	vpop (xrf1)  }
0x100: {  	v3 =	vadd.s32 $0x1400, v2;
	_ =	sdelay $0x3  }
0x101: {  	[tilespmem:$0x3400] =	vst v2;
	v1 =	vnsel vm0, $0x0, v1  }
0x102: {  	[tilespmem:v3+s8+$0x0] =	vst.idx.msk $0xffff, v1  }
0x103: {  	v1 =	vld [tilespmem:$0x1480];
	_ =	sdelay $0x4  }
0x104: {  	(xrf1) =	vsort.dscd.msk.f32 $0xffff, v1, v0;
	_ =	sdelay $0xd  }
0x105: {  	v1, v2, _ =	vpop (xrf1)  }
0x106: {  	v3 =	vadd.s32 $0x1480, v2;
	_ =	sdelay $0x3  }
0x107: {  	[tilespmem:$0x3480] =	vst v2;
	v1 =	vnsel vm0, $0x0, v1  }
0x108: {  	[tilespmem:v3+s8+$0x0] =	vst.idx.msk $0xffff, v1  }
0x109: {  	v1 =	vld [tilespmem:$0x1500];
	_ =	sdelay $0x4  }
0x10a: {  	(xrf1) =	vsort.dscd.msk.f32 $0xffff, v1, v0;
	_ =	sdelay $0xd  }
0x10b: {  	v1, v2, _ =	vpop (xrf1)  }
0x10c: {  	v3 =	vadd.s32 $0x1500, v2;
	_ =	sdelay $0x3  }
0x10d: {  	[tilespmem:$0x3500] =	vst v2;
	v1 =	vnsel vm0, $0x0, v1  }
0x10e: {  	[tilespmem:v3+s8+$0x0] =	vst.idx.msk $0xffff, v1  }
0x10f: {  	v1 =	vld [tilespmem:$0x1580];
	_ =	sdelay $0x4  }
0x110: {  	(xrf1) =	vsort.dscd.msk.f32 $0xffff, v1, v0;
	_ =	sdelay $0xd  }
0x111: {  	v1, v2, _ =	vpop (xrf1)  }
0x112: {  	v3 =	vadd.s32 $0x1580, v2;
	_ =	sdelay $0x3  }
0x113: {  	[tilespmem:$0x3580] =	vst v2;
	v1 =	vnsel vm0, $0x0, v1  }
0x114: {  	[tilespmem:v3+s8+$0x0] =	vst.idx.msk $0xffff, v1  }
0x115: {  	v1 =	vld [tilespmem:$0x1600];
	_ =	sdelay $0x4  }
0x116: {  	(xrf1) =	vsort.dscd.msk.f32 $0xffff, v1, v0;
	_ =	sdelay $0xd  }
0x117: {  	v1, v2, _ =	vpop (xrf1)  }
0x118: {  	v3 =	vadd.s32 $0x1600, v2;
	_ =	sdelay $0x3  }
0x119: {  	[tilespmem:$0x3600] =	vst v2;
	v1 =	vnsel vm0, $0x0, v1  }
0x11a: {  	[tilespmem:v3+s8+$0x0] =	vst.idx.msk $0xffff, v1  }
0x11b: {  	v1 =	vld [tilespmem:$0x1680];
	_ =	sdelay $0x4  }
0x11c: {  	(xrf1) =	vsort.dscd.msk.f32 $0xffff, v1, v0;
	_ =	sdelay $0xd  }
0x11d: {  	v1, v2, _ =	vpop (xrf1)  }
0x11e: {  	v3 =	vadd.s32 $0x1680, v2;
	_ =	sdelay $0x3  }
0x11f: {  	[tilespmem:$0x3680] =	vst v2;
	v1 =	vnsel vm0, $0x0, v1  }
0x120: {  	[tilespmem:v3+s8+$0x0] =	vst.idx.msk $0xffff, v1  }
0x121: {  	v1 =	vld [tilespmem:$0x1700];
	_ =	sdelay $0x4  }
0x122: {  	(xrf1) =	vsort.dscd.msk.f32 $0xffff, v1, v0;
	_ =	sdelay $0xd  }
0x123: {  	v1, v2, _ =	vpop (xrf1)  }
0x124: {  	v3 =	vadd.s32 $0x1700, v2;
	_ =	sdelay $0x3  }
0x125: {  	[tilespmem:$0x3700] =	vst v2;
	v1 =	vnsel vm0, $0x0, v1  }
0x126: {  	[tilespmem:v3+s8+$0x0] =	vst.idx.msk $0xffff, v1  }
0x127: {  	v1 =	vld [tilespmem:$0x1780];
	_ =	sdelay $0x4  }
0x128: {  	(xrf1) =	vsort.dscd.msk.f32 $0xffff, v1, v0;
	_ =	sdelay $0xd  }
0x129: {  	v1, v2, _ =	vpop (xrf1)  }
0x12a: {  	v3 =	vadd.s32 $0x1780, v2;
	_ =	sdelay $0x3  }
0x12b: {  	[tilespmem:$0x3780] =	vst v2;
	v1 =	vnsel vm0, $0x0, v1  }
0x12c: {  	[tilespmem:v3+s8+$0x0] =	vst.idx.msk $0xffff, v1  }
0x12d: {  	v1 =	vld [tilespmem:$0x1800];
	_ =	sdelay $0x4  }
0x12e: {  	(xrf1) =	vsort.dscd.msk.f32 $0xffff, v1, v0;
	_ =	sdelay $0xd  }
0x12f: {  	v1, v2, _ =	vpop (xrf1)  }
0x130: {  	v3 =	vadd.s32 $0x1800, v2;
	_ =	sdelay $0x3  }
0x131: {  	[tilespmem:$0x3800] =	vst v2;
	v1 =	vnsel vm0, $0x0, v1  }
0x132: {  	[tilespmem:v3+s8+$0x0] =	vst.idx.msk $0xffff, v1  }
0x133: {  	v1 =	vld [tilespmem:$0x1880];
	_ =	sdelay $0x4  }
0x134: {  	(xrf1) =	vsort.dscd.msk.f32 $0xffff, v1, v0;
	_ =	sdelay $0xd  }
0x135: {  	v1, v2, _ =	vpop (xrf1)  }
0x136: {  	v3 =	vadd.s32 $0x1880, v2;
	_ =	sdelay $0x3  }
0x137: {  	[tilespmem:$0x3880] =	vst v2;
	v1 =	vnsel vm0, $0x0, v1  }
0x138: {  	[tilespmem:v3+s8+$0x0] =	vst.idx.msk $0xffff, v1  }
0x139: {  	v1 =	vld [tilespmem:$0x1900];
	_ =	sdelay $0x4  }
0x13a: {  	(xrf1) =	vsort.dscd.msk.f32 $0xffff, v1, v0;
	_ =	sdelay $0xd  }
0x13b: {  	v1, v2, _ =	vpop (xrf1)  }
0x13c: {  	v3 =	vadd.s32 $0x1900, v2;
	_ =	sdelay $0x3  }
0x13d: {  	[tilespmem:$0x3900] =	vst v2;
	v1 =	vnsel vm0, $0x0, v1  }
0x13e: {  	[tilespmem:v3+s8+$0x0] =	vst.idx.msk $0xffff, v1  }
0x13f: {  	v1 =	vld [tilespmem:$0x1980];
	_ =	sdelay $0x4  }
0x140: {  	(xrf1) =	vsort.dscd.msk.f32 $0xffff, v1, v0;
	_ =	sdelay $0xd  }
0x141: {  	v1, v2, _ =	vpop (xrf1)  }
0x142: {  	v3 =	vadd.s32 $0x1980, v2;
	_ =	sdelay $0x3  }
0x143: {  	[tilespmem:$0x3980] =	vst v2;
	v1 =	vnsel vm0, $0x0, v1  }
0x144: {  	[tilespmem:v3+s8+$0x0] =	vst.idx.msk $0xffff, v1  }
0x145: {  	v1 =	vld [tilespmem:$0x1A00];
	_ =	sdelay $0x4  }
0x146: {  	(xrf1) =	vsort.dscd.msk.f32 $0xffff, v1, v0;
	_ =	sdelay $0xd  }
0x147: {  	v1, v2, _ =	vpop (xrf1)  }
0x148: {  	v3 =	vadd.s32 $0x1A00, v2;
	_ =	sdelay $0x3  }
0x149: {  	[tilespmem:$0x3A00] =	vst v2;
	v1 =	vnsel vm0, $0x0, v1  }
0x14a: {  	[tilespmem:v3+s8+$0x0] =	vst.idx.msk $0xffff, v1  }
0x14b: {  	v1 =	vld [tilespmem:$0x1A80];
	_ =	sdelay $0x4  }
0x14c: {  	(xrf1) =	vsort.dscd.msk.f32 $0xffff, v1, v0;
	_ =	sdelay $0xd  }
0x14d: {  	v1, v2, _ =	vpop (xrf1)  }
0x14e: {  	v3 =	vadd.s32 $0x1A80, v2;
	_ =	sdelay $0x3  }
0x14f: {  	[tilespmem:$0x3A80] =	vst v2;
	v1 =	vnsel vm0, $0x0, v1  }
0x150: {  	[tilespmem:v3+s8+$0x0] =	vst.idx.msk $0xffff, v1  }
0x151: {  	v1 =	vld [tilespmem:$0x1B00];
	_ =	sdelay $0x4  }
0x152: {  	(xrf1) =	vsort.dscd.msk.f32 $0xffff, v1, v0;
	_ =	sdelay $0xd  }
0x153: {  	v1, v2, _ =	vpop (xrf1)  }
0x154: {  	v3 =	vadd.s32 $0x1B00, v2;
	_ =	sdelay $0x3  }
0x155: {  	[tilespmem:$0x3B00] =	vst v2;
	v1 =	vnsel vm0, $0x0, v1  }
0x156: {  	[tilespmem:v3+s8+$0x0] =	vst.idx.msk $0xffff, v1  }
0x157: {  	v1 =	vld [tilespmem:$0x1B80];
	_ =	sdelay $0x4  }
0x158: {  	(xrf1) =	vsort.dscd.msk.f32 $0xffff, v1, v0;
	_ =	sdelay $0xd  }
0x159: {  	v1, v2, _ =	vpop (xrf1)  }
0x15a: {  	v3 =	vadd.s32 $0x1B80, v2;
	_ =	sdelay $0x3  }
0x15b: {  	[tilespmem:$0x3B80] =	vst v2;
	v1 =	vnsel vm0, $0x0, v1  }
0x15c: {  	[tilespmem:v3+s8+$0x0] =	vst.idx.msk $0xffff, v1  }
0x15d: {  	v1 =	vld [tilespmem:$0x1C00];
	_ =	sdelay $0x4  }
0x15e: {  	(xrf1) =	vsort.dscd.msk.f32 $0xffff, v1, v0;
	_ =	sdelay $0xd  }
0x15f: {  	v1, v2, _ =	vpop (xrf1)  }
0x160: {  	v3 =	vadd.s32 $0x1C00, v2;
	_ =	sdelay $0x3  }
0x161: {  	[tilespmem:$0x3C00] =	vst v2;
	v1 =	vnsel vm0, $0x0, v1  }
0x162: {  	[tilespmem:v3+s8+$0x0] =	vst.idx.msk $0xffff, v1  }
0x163: {  	v1 =	vld [tilespmem:$0x1C80];
	_ =	sdelay $0x4  }
0x164: {  	(xrf1) =	vsort.dscd.msk.f32 $0xffff, v1, v0;
	_ =	sdelay $0xd  }
0x165: {  	v1, v2, _ =	vpop (xrf1)  }
0x166: {  	v3 =	vadd.s32 $0x1C80, v2;
	_ =	sdelay $0x3  }
0x167: {  	[tilespmem:$0x3C80] =	vst v2;
	v1 =	vnsel vm0, $0x0, v1  }
0x168: {  	[tilespmem:v3+s8+$0x0] =	vst.idx.msk $0xffff, v1  }
0x169: {  	v1 =	vld [tilespmem:$0x1D00];
	_ =	sdelay $0x4  }
0x16a: {  	(xrf1) =	vsort.dscd.msk.f32 $0xffff, v1, v0;
	_ =	sdelay $0xd  }
0x16b: {  	v1, v2, _ =	vpop (xrf1)  }
0x16c: {  	v3 =	vadd.s32 $0x1D00, v2;
	_ =	sdelay $0x3  }
0x16d: {  	[tilespmem:$0x3D00] =	vst v2;
	v1 =	vnsel vm0, $0x0, v1  }
0x16e: {  	[tilespmem:v3+s8+$0x0] =	vst.idx.msk $0xffff, v1  }
0x16f: {  	v1 =	vld [tilespmem:$0x1D80];
	_ =	sdelay $0x4  }
0x170: {  	(xrf1) =	vsort.dscd.msk.f32 $0xffff, v1, v0;
	_ =	sdelay $0xd  }
0x171: {  	v1, v2, _ =	vpop (xrf1)  }
0x172: {  	v3 =	vadd.s32 $0x1D80, v2;
	_ =	sdelay $0x3  }
0x173: {  	[tilespmem:$0x3D80] =	vst v2;
	v1 =	vnsel vm0, $0x0, v1  }
0x174: {  	[tilespmem:v3+s8+$0x0] =	vst.idx.msk $0xffff, v1  }
0x175: {  	v1 =	vld [tilespmem:$0x1E00];
	_ =	sdelay $0x4  }
0x176: {  	(xrf1) =	vsort.dscd.msk.f32 $0xffff, v1, v0;
	_ =	sdelay $0xd  }
0x177: {  	v1, v2, _ =	vpop (xrf1)  }
0x178: {  	v3 =	vadd.s32 $0x1E00, v2;
	_ =	sdelay $0x3  }
0x179: {  	[tilespmem:$0x3E00] =	vst v2;
	v1 =	vnsel vm0, $0x0, v1  }
0x17a: {  	[tilespmem:v3+s8+$0x0] =	vst.idx.msk $0xffff, v1  }
0x17b: {  	v1 =	vld [tilespmem:$0x1E80];
	_ =	sdelay $0x4  }
0x17c: {  	(xrf1) =	vsort.dscd.msk.f32 $0xffff, v1, v0;
	_ =	sdelay $0xd  }
0x17d: {  	v1, v2, _ =	vpop (xrf1)  }
0x17e: {  	v3 =	vadd.s32 $0x1E80, v2;
	_ =	sdelay $0x3  }
0x17f: {  	[tilespmem:$0x3E80] =	vst v2;
	v1 =	vnsel vm0, $0x0, v1  }
0x180: {  	[tilespmem:v3+s8+$0x0] =	vst.idx.msk $0xffff, v1  }
0x181: {  	v1 =	vld [tilespmem:$0x1F00];
	_ =	sdelay $0x4  }
0x182: {  	(xrf1) =	vsort.dscd.msk.f32 $0xffff, v1, v0;
	_ =	sdelay $0xd  }
0x183: {  	v1, v2, _ =	vpop (xrf1)  }
0x184: {  	v3 =	vadd.s32 $0x1F00, v2;
	_ =	sdelay $0x3  }
0x185: {  	[tilespmem:$0x3F00] =	vst v2;
	v1 =	vnsel vm0, $0x0, v1  }
0x186: {  	[tilespmem:v3+s8+$0x0] =	vst.idx.msk $0xffff, v1  }
0x187: {  	v1 =	vld [tilespmem:$0x1F80];
	_ =	sdelay $0x4  }
0x188: {  	(xrf1) =	vsort.dscd.msk.f32 $0xffff, v1, v0;
	_ =	sdelay $0xd  }
0x189: {  	v1, v2, _ =	vpop (xrf1)  }
0x18a: {  	v3 =	vadd.s32 $0x1F80, v2;
	_ =	sdelay $0x3  }
0x18b: {  	[tilespmem:$0x3F80] =	vst v2;
	v1 =	vnsel vm0, $0x0, v1  }
0x18c: {  	[tilespmem:v3+s8+$0x0] =	vst.idx.msk $0xffff, v1  }
0x18d: {  	[hbm4b:s4+s2] =	stream.linear.scatter [tilespmem:s9], [sflag:$0x1], $0x2000, $0x38;
	[tilespmem:$0x6000] =	vst v63  }
0x18e: {  	_ =	swait.ge [sflag:s7], $0x2000  }
0x18f: {  	p0 =	sne.s32 s6, $0x1;
	[sflag:s7] =	ssyncset.done $0x0  }
.Ltmp0:
0x190: {  	[sflag:s7] =	ssyncadd.s32 $0xFFFFE000;
	(pc) =	sbr.rel @p0 .LBB2_1-.Ltmp0, $4  }
0x191: {  	[hbm4b:s5+s2] =	stream.linear.scatter [tilespmem:s8], [sflag:$0x1], $0x2000, $0x38;
	[tilespmem:$0x6000] =	vst v63  }
0x192: {  	_ =	swait.ge [sflag:s7], $0x2000  }
0x193: {  	[sflag:s7] =	ssyncset.done $0x0  }
0x194: {  	s6 =	sadd.s32 $0xFFFFFFFF, s6;
	[sflag:s7] =	ssyncadd.s32 $0xFFFFE000  }
0x195: {  	_ =	sfence.sel $0x180000  }
0x196: {  	[bflag:$0x0] =	sbarrier.arrive $0xFFFF  }
0x197: {  	p0 =	sne.s32 s1, $0x0;
	_ =	strace $0x90000047  }
0x198: {  	s0 =	sadd.s32 @!p0 $0x100000, s0;
	[bflag:$0x2] =	sbarrier.arrive $0xFFFF  }
0x199: {  	[sflag:s0] =	ssyncadd.tile.s32 @!p0 $0x1;
	_ =	shalt  }
.Lfunc_end2:
_tile_overlayer_lowered:
.L_overlay_start_2:
0x19a: {  	(tag) =	ssettag $0x2  }
0x19b: {  	s0 =	rddreg [dreg:$0x0];
	s2 =	stileid.u32  }
0x19c: {  	s1 =	rddreg [dreg:$0x1];
	p0 =	sne.s32 s2, $0x0  }
0x19d: {  	s3 =	rddreg [dreg:$0x2];
	[bflag:$0x3] =	sbarrier.arrive $0xFFFF;
	s2 =	simm.s32 @!p0 $0x1C01  }
0x19e: {  	[timem:s3], [sflag:s2] =	dma.local @!p0 [hbm:s0], s1  }
0x19f: {  	s0 =	simm.s32 @!p0 $0x1  }
0x1a0: {  	_ =	swait.ge @!p0 [sflag:s0], s1  }
0x1a1: {  	s1 =	ssub.s32 @!p0 $0x0, s1;
	[sflag:s0] =	ssyncset.done @!p0 $0x0  }
0x1a2: {  	[sflag:s0] =	ssyncadd.s32 @!p0 s1  }
0x1a3: {  	[bflag:$0x3] =	sbarrier.arrive $0xFFFF  }
0x1a4: {  	_ =	shalt  }

</sc_bundles>
